<compile_context>
chip_gen: v7x
topology: tpu7x:2x2x1
jax: 0.10.2.dev20260603
libtpu: 0.0.44.dev20260713+nightly
codegen_flags: <defaults>
</compile_context>

<pallas_src>
import functools
import math

import jax
import jax.numpy as jnp
import numpy as np
from jax.experimental import pallas as pl
from jax.experimental.pallas import tpu as pltpu
from jax.experimental.pallas import tpu_sc as plsc

B, S, D = 1, 2048, 1024
H = 16
HD = D // H
E = 8
DFF = 4 * D
CAP = math.ceil(1.25 * S / E)
MEM_LEN = 256
CMEM_LEN = 128
KF = 8
DFB = DFF // KF


def _ln(x, g, b):
    m = jnp.mean(x, axis=-1, keepdims=True)
    v = jnp.mean((x - m) ** 2, axis=-1, keepdims=True)
    return (x - m) / jnp.sqrt(v + 1e-5) * g + b


def _mm(a, w, bias=None, *, act=None, res=None, bm=256, bn=512):
    M, K = a.shape
    N = w.shape[1]
    bm = min(bm, M)
    bn = min(bn, N)
    operands = [a, w]
    specs = [
        pl.BlockSpec((bm, K), lambda i, j: (i, 0)),
        pl.BlockSpec((K, bn), lambda i, j: (0, j)),
    ]
    has_bias = bias is not None
    has_res = res is not None
    if has_bias:
        operands.append(bias.reshape(1, N))
        specs.append(pl.BlockSpec((1, bn), lambda i, j: (0, j)))
    if has_res:
        operands.append(res)
        specs.append(pl.BlockSpec((bm, bn), lambda i, j: (i, j)))

    def kfn(*refs):
        it = iter(refs)
        a_ref = next(it)
        w_ref = next(it)
        b_ref = next(it) if has_bias else None
        r_ref = next(it) if has_res else None
        o_ref = next(it)
        o = jnp.dot(a_ref[...], w_ref[...], preferred_element_type=jnp.float32)
        if has_bias:
            o = o + b_ref[...]
        if act == "relu":
            o = jnp.maximum(o, 0.0)
        if has_res:
            o = o + r_ref[...]
        o_ref[...] = o

    return pl.pallas_call(
        kfn,
        grid=(M // bm, N // bn),
        in_specs=specs,
        out_specs=pl.BlockSpec((bm, bn), lambda i, j: (i, j)),
        out_shape=jax.ShapeDtypeStruct((M, N), jnp.float32),
    )(*operands)


def _attn_scores_kernel(q_ref, k_ref, o_ref, *, bq):
    i = pl.program_id(1)
    row = i * bq + jax.lax.broadcasted_iota(jnp.int32, (bq, S), 0)
    col = jax.lax.broadcasted_iota(jnp.int32, (bq, S), 1)
    for ii in range(S // bq):
        @pl.when(i == ii)
        def _(ii=ii):
            w = (ii + 1) * bq
            s = jax.lax.dot_general(
                q_ref[0], k_ref[0, :w, :], (((1,), (1,)), ((), ())),
                preferred_element_type=jnp.float32,
            ) / math.sqrt(HD)
            if w < S:
                s = jnp.concatenate(
                    [s, jnp.full((bq, S - w), -1e30, jnp.float32)], axis=1)
            o_ref[0] = jnp.where(col > row, -1e30, s)


def _attn_scores(q, k, bq=512):
    return pl.pallas_call(
        functools.partial(_attn_scores_kernel, bq=bq),
        grid=(H, S // bq),
        in_specs=[
            pl.BlockSpec((1, bq, HD), lambda h, i: (h, i, 0)),
            pl.BlockSpec((1, S, HD), lambda h, i: (h, 0, 0)),
        ],
        out_specs=pl.BlockSpec((1, bq, S), lambda h, i: (h, i, 0)),
        out_shape=jax.ShapeDtypeStruct((H, S, S), jnp.float32),
    )(q, k)


def _attn_av_kernel(s_ref, l_ref, v_ref, o_ref, *, bq):
    i = pl.program_id(1)
    for ii in range(S // bq):
        @pl.when(i == ii)
        def _(ii=ii):
            wd = (ii + 1) * bq
            sv = s_ref[0, :, :wd]
            m = jnp.max(sv, axis=1, keepdims=True)
            e = jnp.exp(sv - m)
            w = e / jnp.transpose(l_ref[0, 0])
            o_ref[0] = jnp.dot(w, v_ref[0, :wd, :],
                               preferred_element_type=jnp.float32)


def _attn_av(sc, l, v, bq=512):
    return pl.pallas_call(
        functools.partial(_attn_av_kernel, bq=bq),
        grid=(H, S // bq),
        in_specs=[
            pl.BlockSpec((1, bq, S), lambda h, i: (h, i, 0)),
            pl.BlockSpec((1, 1, 1, bq), lambda h, i: (h, i, 0, 0)),
            pl.BlockSpec((1, S, HD), lambda h, i: (h, 0, 0)),
        ],
        out_specs=pl.BlockSpec((1, bq, HD), lambda h, i: (h, i, 0)),
        out_shape=jax.ShapeDtypeStruct((H, S, HD), jnp.float32),
    )(sc, l.reshape(H, S // bq, 1, bq), v)


def _sc_gather(table, idx):
    nidx = idx.shape[0]
    info = plsc.get_sparse_core_info()
    nw = info.num_cores * info.num_subcores
    b_per_w = nidx // nw
    mesh = plsc.VectorSubcoreMesh(core_axis_name="c", subcore_axis_name="s")

    @functools.partial(
        pl.kernel, mesh=mesh,
        out_type=jax.ShapeDtypeStruct((nidx, D), jnp.float32),
        scratch_types=[
            pltpu.VMEM((b_per_w,), jnp.int32),
            pltpu.VMEM((b_per_w, D), jnp.float32),
            pltpu.SemaphoreType.DMA,
        ],
    )
    def k(table_hbm, idx_hbm, out_hbm, idx_v, rows_v, sem):
        wid = jax.lax.axis_index("s") * info.num_cores + jax.lax.axis_index("c")
        base = wid * b_per_w
        pltpu.sync_copy(idx_hbm.at[pl.ds(base, b_per_w)], idx_v)
        pltpu.async_copy(table_hbm.at[idx_v], rows_v, sem).wait()
        pltpu.sync_copy(rows_v, out_hbm.at[pl.ds(base, b_per_w)])

    return k(table, idx)


def _expert_kernel(disp_ref, ti_ref, ts_ref, ew1_ref, eb1_ref,
                   ew2_ref, eb2_ref, o_ref, acc_ref):
    e = pl.program_id(0)
    kf = pl.program_id(1)

    @pl.when(jnp.logical_and(e == 0, kf == 0))
    def _():
        o_ref[...] = jnp.zeros_like(o_ref)

    rows = jax.lax.broadcasted_iota(jnp.int32, (S, CAP), 0)
    oh = (rows == ti_ref[0]).astype(jnp.float32)

    h1 = jnp.maximum(
        jnp.dot(disp_ref[0], ew1_ref[0], preferred_element_type=jnp.float32)
        + eb1_ref[0, 0], 0.0)
    contrib = jnp.dot(h1, ew2_ref[0], preferred_element_type=jnp.float32)

    @pl.when(kf == 0)
    def _():
        acc_ref[...] = contrib

    @pl.when(kf > 0)
    def _():
        acc_ref[...] = acc_ref[...] + contrib

    @pl.when(kf == KF - 1)
    def _():
        eo = acc_ref[...] + eb2_ref[0]
        o_ref[...] = o_ref[...] + jnp.dot(
            oh * ts_ref[0], eo, preferred_element_type=jnp.float32)


def _experts(disp, ti, ts, ew1, eb1, ew2, eb2):
    return pl.pallas_call(
        _expert_kernel,
        grid=(E, KF),
        in_specs=[
            pl.BlockSpec((1, CAP, D), lambda e, kf: (e, 0, 0)),
            pl.BlockSpec((1, 1, CAP), lambda e, kf: (e, 0, 0)),
            pl.BlockSpec((1, 1, CAP), lambda e, kf: (e, 0, 0)),
            pl.BlockSpec((1, D, DFB), lambda e, kf: (e, 0, kf)),
            pl.BlockSpec((1, 1, 1, DFB), lambda e, kf: (e, kf, 0, 0)),
            pl.BlockSpec((1, DFB, D), lambda e, kf: (e, kf, 0)),
            pl.BlockSpec((1, 1, D), lambda e, kf: (e, 0, 0)),
        ],
        out_specs=pl.BlockSpec((S, D), lambda e, kf: (0, 0)),
        out_shape=jax.ShapeDtypeStruct((S, D), jnp.float32),
        scratch_shapes=[
            pltpu.VMEM((CAP, D), jnp.float32),
        ],
    )(
        disp,
        ti.reshape(E, 1, CAP),
        ts.reshape(E, 1, CAP),
        ew1,
        eb1.reshape(E, KF, 1, DFB),
        ew2,
        eb2.reshape(E, 1, D),
    )


def _add_kernel(a_ref, b_ref, o_ref):
    o_ref[...] = a_ref[...] + b_ref[...]


def _add(a, b, bm=256):
    M, N = a.shape
    return pl.pallas_call(
        _add_kernel,
        grid=(M // bm,),
        in_specs=[pl.BlockSpec((bm, N), lambda i: (i, 0))] * 2,
        out_specs=pl.BlockSpec((bm, N), lambda i: (i, 0)),
        out_shape=jax.ShapeDtypeStruct((M, N), jnp.float32),
    )(a, b)


def _rec_kernel(ev_ref, od_ref, cq_ref, cpw_ref, cpb_ref, it_ref, fm_ref, o_ref):
    inv = 1.0 / math.sqrt(D)
    ev = ev_ref[...]
    od = od_ref[...]
    cq = cq_ref[...]
    se = jnp.sum(ev * cq, axis=1, keepdims=True) * inv
    so = jnp.sum(od * cq, axis=1, keepdims=True) * inv
    m = jnp.maximum(se, so)
    ae = jnp.exp(se - m)
    ao = jnp.exp(so - m)
    mix = (ae * ev + ao * od) / (ae + ao)
    comp = jnp.dot(mix, cpw_ref[...], preferred_element_type=jnp.float32) + cpb_ref[...]
    dec = jnp.dot(it_ref[...], comp, preferred_element_type=jnp.float32)
    d = dec - fm_ref[...]
    ssq = jnp.sum(jnp.sum(d * d, axis=1, keepdims=True), axis=0, keepdims=True)
    o_ref[...] = ssq * (1.0 / (MEM_LEN * D))


def _interp_mat():
    L, out_len = MEM_LEN // 2, MEM_LEN
    pos = (np.arange(out_len, dtype=np.float64) + 0.5) * L / out_len - 0.5
    pos = np.clip(pos, 0.0, L - 1.0)
    lo = np.floor(pos).astype(np.int32)
    hi = np.clip(lo + 1, 0, L - 1)
    w = (pos - lo).astype(np.float32)
    mat = np.zeros((out_len, L), np.float32)
    mat[np.arange(out_len), lo] += 1.0 - w
    mat[np.arange(out_len), hi] += w
    return jnp.asarray(mat)


def _rec_loss(fine_mem, cq, cpw, cpb):
    fm3 = fine_mem.reshape(MEM_LEN // 2, 2, D)
    return pl.pallas_call(
        _rec_kernel,
        out_shape=jax.ShapeDtypeStruct((1, 1), jnp.float32),
    )(fm3[:, 0, :], fm3[:, 1, :], cq.reshape(1, D), cpw, cpb.reshape(1, D),
      _interp_mat(), fine_mem)[0, 0]


def _imp_kernel(s_ref, o_ref):
    x = s_ref[...]
    colid = jax.lax.broadcasted_iota(jnp.int32, x.shape, 1)
    valid = colid < E
    xm = jnp.where(valid, x, -1e30)
    m = jnp.max(xm, axis=1, keepdims=True)
    ex = jnp.where(valid, jnp.exp(x - m), 0.0)
    p = ex / jnp.sum(ex, axis=1, keepdims=True)
    imp = jnp.sum(p, axis=0, keepdims=True)
    mean = jnp.sum(imp, axis=1, keepdims=True) / E
    dv = jnp.where(valid[:1, :], imp - mean, 0.0)
    var = jnp.sum(dv * dv, axis=1, keepdims=True) / (E - 1)
    o_ref[...] = var / (mean * mean + 1e-6)


def _imp_loss(scores_pad):
    return pl.pallas_call(
        _imp_kernel,
        out_shape=jax.ShapeDtypeStruct((1, 1), jnp.float32),
    )(scores_pad)[0, 0]


def kernel(x, fine_mem, cmem, params):
    p = params
    xf = x.reshape(S, D)

    h = _ln(xf, p['g1'], p['b1'])
    wqkv = jnp.concatenate([p['Wq'], p['Wk'], p['Wv']], axis=1)
    qkv = _mm(h, wqkv)
    q = qkv[:, :D].reshape(S, H, HD).transpose(1, 0, 2)
    k = qkv[:, D:2 * D].reshape(S, H, HD).transpose(1, 0, 2)
    v = qkv[:, 2 * D:].reshape(S, H, HD).transpose(1, 0, 2)
    sc = _attn_scores(q, k)
    lsum = jnp.sum(jnp.exp(sc - jnp.max(sc, axis=-1, keepdims=True)), axis=-1)
    ao = _attn_av(sc, lsum, v).transpose(1, 0, 2).reshape(S, D)
    x1 = _mm(ao, p['Wo'], res=xf)

    fkv = _mm(fine_mem, jnp.concatenate([p['kpw'], p['vpw']], axis=1),
              jnp.concatenate([p['kpb'], p['vpb']]))
    ckv = _mm(cmem, jnp.concatenate([p['cmkw'], p['cmvw']], axis=1),
              jnp.concatenate([p['cmkb'], p['cmvb']]), bm=128)
    mem_k = jnp.concatenate([fkv[:, :D], ckv[:, :D]], axis=0)
    mem_v = jnp.concatenate([fkv[:, D:], ckv[:, D:]], axis=0)
    x2in = _ln(x1, p['g2'], p['b2'])
    qp = _mm(x2in, p['ckw'], p['ckb'])
    ms = _mm(qp, mem_k.T) / math.sqrt(D)
    ma = jax.nn.softmax(ms, axis=-1)
    mem_out = _mm(ma, mem_v, res=x2in, bn=512)
    x2 = _mm(mem_out, p['mpw'], p['mpb'], res=x1)

    rec = _rec_loss(fine_mem, p['cq'], p['cpw'], p['cpb'])

    h3 = _ln(x2, p['g3'], p['b3'])
    hr = _mm(h3, p['rw1'], p['rb1'], act="relu")
    rw2p = jnp.pad(p['rw2'], ((0, 0), (0, 128 - E)))
    rb2p = jnp.pad(p['rb2'], (0, 128 - E))
    scores_pad = _mm(hr, rw2p, rb2p, bn=128)
    scores = scores_pad[:, :E]
    ts, ti = jax.lax.top_k(scores.T, CAP)
    disp = _sc_gather(h3, ti.reshape(-1)).reshape(E, CAP, D)
    combined = _experts(disp, ti, ts, p['ew1'], p['eb1'], p['ew2'], p['eb2'])
    out = _add(x2, combined)

    imp = _imp_loss(scores_pad)
    aux = rec + imp
    return out.reshape(B, S, D), aux

# --- scband reference (transcript-rebuilt; emitter-appended) ---
"""Pipeline reference for scband-mo-ememory-layer-81844896792936 (READ-ONLY COPY).

The authoritative reference and input builder live on the scoring server;
editing this copy changes nothing except your own understanding.
"""

import math
import jax, jax.numpy as jnp
import numpy as np

B, S, D = 1, 2048, 1024
H = 16
E = 8
DFF = 4 * D
CAPF = 1.25
MEM_LEN = 256
CMEM_LEN = 128
RATIO = 2


def _w(key, shape):
    return jax.random.normal(key, shape, dtype=jnp.float32) * 0.02


def setup_inputs(seed: int = 0):
    key = jax.random.key(seed)
    ks = jax.random.split(key, 32)
    x = jax.random.normal(ks[0], (B, S, D), dtype=jnp.float32)
    fine_mem = jax.random.normal(ks[1], (MEM_LEN, D), dtype=jnp.float32)
    cmem = jax.random.normal(ks[2], (CMEM_LEN, D), dtype=jnp.float32)
    p = {
        'Wq': _w(ks[3], (D, D)), 'Wk': _w(ks[4], (D, D)), 'Wv': _w(ks[5], (D, D)), 'Wo': _w(ks[6], (D, D)),
        'g1': jnp.ones((D,), jnp.float32), 'b1': jnp.zeros((D,), jnp.float32),
        'g2': jnp.ones((D,), jnp.float32), 'b2': jnp.zeros((D,), jnp.float32),
        'g3': jnp.ones((D,), jnp.float32), 'b3': jnp.zeros((D,), jnp.float32),
        'rw1': _w(ks[7], (D, DFF)), 'rb1': jnp.zeros((DFF,), jnp.float32),
        'rw2': _w(ks[8], (DFF, E)), 'rb2': jnp.zeros((E,), jnp.float32),
        'ew1': _w(ks[9], (E, D, DFF)), 'eb1': jnp.zeros((E, DFF), jnp.float32),
        'ew2': _w(ks[10], (E, DFF, D)), 'eb2': jnp.zeros((E, D), jnp.float32),
        'cq': _w(ks[11], (D,)),
        'cpw': _w(ks[12], (D, D)), 'cpb': jnp.zeros((D,), jnp.float32),
        'kpw': _w(ks[13], (D, D)), 'kpb': jnp.zeros((D,), jnp.float32),
        'vpw': _w(ks[14], (D, D)), 'vpb': jnp.zeros((D,), jnp.float32),
        'ckw': _w(ks[15], (D, D)), 'ckb': jnp.zeros((D,), jnp.float32),
        'cmkw': _w(ks[16], (D, D)), 'cmkb': jnp.zeros((D,), jnp.float32),
        'cmvw': _w(ks[17], (D, D)), 'cmvb': jnp.zeros((D,), jnp.float32),
        'mpw': _w(ks[18], (D, D)), 'mpb': jnp.zeros((D,), jnp.float32),
    }
    return {'x': x, 'fine_mem': fine_mem, 'cmem': cmem, 'params': p}


def _ln(x, g, b):
    m = jnp.mean(x, axis=-1, keepdims=True)
    v = jnp.mean((x - m) ** 2, axis=-1, keepdims=True)
    return (x - m) / jnp.sqrt(v + 1e-5) * g + b


def _self_attn(h, p):
    hd = D // H
    q = (h @ p['Wq']).reshape(B, S, H, hd)
    k = (h @ p['Wk']).reshape(B, S, H, hd)
    v = (h @ p['Wv']).reshape(B, S, H, hd)
    scores = jnp.einsum('bihd,bjhd->bhij', q, k) / math.sqrt(hd)
    mask = jnp.triu(jnp.ones((S, S), bool), k=1)
    scores = jnp.where(mask[None, None], -1e30, scores)
    w = jax.nn.softmax(scores, axis=-1)
    out = jnp.einsum('bhij,bjhd->bihd', w, v).reshape(B, S, D)
    return out @ p['Wo']


def _compressor(chunk, p):
    L, d = chunk.shape
    L_out = L // RATIO
    c = chunk.reshape(L_out, RATIO, d)
    s = jnp.einsum('d,lrd->lr', p['cq'], c) / math.sqrt(d)
    w = jax.nn.softmax(s, axis=-1)
    out = jnp.einsum('lr,lrd->ld', w, c)
    return out @ p['cpw'] + p['cpb']


def _interp_linear(x, out_len):
    L = x.shape[0]
    pos = (jnp.arange(out_len, dtype=jnp.float32) + 0.5) * L / out_len - 0.5
    pos = jnp.clip(pos, 0.0, L - 1.0)
    lo = jnp.floor(pos).astype(jnp.int32)
    hi = jnp.clip(lo + 1, 0, L - 1)
    w = (pos - lo.astype(jnp.float32))[:, None]
    return x[lo] * (1.0 - w) + x[hi] * w


def _memory(x2, fine_mem, cmem, p):
    fk = fine_mem @ p['kpw'] + p['kpb']
    fv = fine_mem @ p['vpw'] + p['vpb']
    ck = cmem @ p['cmkw'] + p['cmkb']
    cv = cmem @ p['cmvw'] + p['cmvb']
    compressed = _compressor(fine_mem, p)
    decoded = _interp_linear(compressed, MEM_LEN)
    rec = jnp.mean((decoded - fine_mem) ** 2)
    query = x2 @ p['ckw'] + p['ckb']
    mem_k = jnp.concatenate([fk, ck], 0)
    mem_v = jnp.concatenate([fv, cv], 0)
    a = jax.nn.softmax(jnp.einsum('bsd,md->bsm', query, mem_k) / math.sqrt(D), axis=-1)
    out = x2 + jnp.einsum('bsm,md->bsd', a, mem_v)
    return out, rec


def _moe(h3, p):
    xf = h3.reshape(-1, D)
    N = xf.shape[0]
    scores = jax.nn.relu(xf @ p['rw1'] + p['rb1']) @ p['rw2'] + p['rb2']
    cap = math.ceil(CAPF * N / E)
    ts, ti = jax.lax.top_k(scores.T, cap)
    disp = xf[ti]
    h1 = jax.nn.relu(jnp.einsum('ecd,edf->ecf', disp, p['ew1']) + p['eb1'][:, None, :])
    eo = jnp.einsum('ecf,efd->ecd', h1, p['ew2']) + p['eb2'][:, None, :]
    weighted = eo * ts[..., None]
    combined = jnp.zeros((N, D), jnp.float32).at[ti.reshape(-1)].add(weighted.reshape(-1, D))
    probs = jax.nn.softmax(scores, axis=-1)
    imp = probs.sum(0)
    load = jnp.full((E,), float(cap), jnp.float32) + 1e-6
    load_loss = jnp.var(load, ddof=1) / (jnp.mean(load) ** 2 + 1e-6)
    imp_loss = jnp.var(imp, ddof=1) / (jnp.mean(imp) ** 2 + 1e-6)
    return combined, load_loss, imp_loss


def _forward(x, fine_mem, cmem, p):
    h = _ln(x, p['g1'], p['b1'])
    x = x + _self_attn(h, p)
    h2 = _ln(x, p['g2'], p['b2'])
    mem_out, rec = _memory(h2, fine_mem, cmem, p)
    x = x + (mem_out @ p['mpw'] + p['mpb'])
    h3 = _ln(x, p['g3'], p['b3'])
    combined, ll, il = _moe(h3, p)
    x = x + combined.reshape(B, S, D)
    return x, rec + ll + il


def reference(x, fine_mem, cmem, params):
    return _forward(x, fine_mem, cmem, params)

if __name__ == "__main__":
    import jax
    _d = setup_inputs()
    print(jax.jit(kernel)(*tuple(_d.values())))

</pallas_src>

<mosaic_0001>
#map = affine_map<(d0, d1) -> (0, 0)>
#map1 = affine_map<(d0, d1) -> (0)>
module attributes {stable_mosaic.version = 14 : i64} {
  func.func @k(%arg0: i32, %arg1: i32, %arg2: memref<2048x1024xf32, #tpu.memory_space<hbm>>, %arg3: memref<2560xi32, #tpu.memory_space<hbm>>, %arg4: memref<2560x1024xf32, #tpu.memory_space<hbm>>, %arg5: memref<80xi32, #tpu.memory_space<vmem>>, %arg6: memref<80x1024xf32, #tpu.memory_space<vmem>>, %arg7: memref<!tpu.dma_semaphore, #tpu.memory_space<semaphore_mem>>) attributes {dimension_semantics = [#tpu.dimension_semantics<core_parallel>, #tpu.dimension_semantics<subcore_parallel>], iteration_bounds = array<i64: 2, 16>, scalar_prefetch = 0 : i64, scratch_operands = 3 : i64, tpu.core_type = #tpu.core_type<sc_vector_subcore>, window_params = [{transform_indices = #map}, {transform_indices = #map1}, {transform_indices = #map}]} {
    %mul3A = arith.constant 2 : i32
    %mul3A_0 = arith.muli %arg1, %mul3A : i32
    %add3A = arith.addi %mul3A_0, %arg0 : i32
    %mul3A_1 = arith.constant 80 : i32
    %mul3A_2 = arith.muli %add3A, %mul3A_1 : i32
    "tpu.region"() ({
      %run_scoped3A = tpu.sem_alloc : memref<!tpu.dma_semaphore, #tpu.memory_space<semaphore_mem>>
      %dma_start3A_7 = tpu.memref_slice %arg3[%mul3A_2] : memref<2560xi32, #tpu.memory_space<hbm>> -> memref<80xi32, #tpu.memory_space<hbm>>
      %dma_start3A_8 = tpu.memref_slice %arg3[%mul3A_2] : memref<2560xi32, #tpu.memory_space<hbm>> -> memref<80xi32, #tpu.memory_space<hbm>>
      tpu.enqueue_dma source(%dma_start3A_8 : memref<80xi32, #tpu.memory_space<hbm>>) target(%arg5 : memref<80xi32, #tpu.memory_space<vmem>>) target_semaphore(%run_scoped3A : memref<!tpu.dma_semaphore, #tpu.memory_space<semaphore_mem>>)
      %dma_wait3A_9 = tpu.memref_slice %arg3[%mul3A_2] : memref<2560xi32, #tpu.memory_space<hbm>> -> memref<80xi32, #tpu.memory_space<hbm>>
      %dma_wait3A_10 = tpu.memref_slice %arg3[%mul3A_2] : memref<2560xi32, #tpu.memory_space<hbm>> -> memref<80xi32, #tpu.memory_space<hbm>>
      tpu.wait_dma2 semaphore(%run_scoped3A : memref<!tpu.dma_semaphore, #tpu.memory_space<semaphore_mem>>) src(%dma_wait3A_10 : memref<80xi32, #tpu.memory_space<hbm>>) dst(%arg5 : memref<80xi32, #tpu.memory_space<vmem>>)
      tpu.yield
    }) : () -> ()
    %dma_start3A = arith.constant 0 : i32
    %dma_start3A_3 = arith.constant 0 : i32
    %dma_start3A_4 = tpu.memref_slice %arg2[%dma_start3A, %dma_start3A_3] : memref<2048x1024xf32, #tpu.memory_space<hbm>> -> memref<2048x1024xf32, #tpu.memory_space<hbm>>
    tpu.enqueue_indirect_dma source(%dma_start3A_4 : memref<2048x1024xf32, #tpu.memory_space<hbm>>) target(%arg6 : memref<80x1024xf32, #tpu.memory_space<vmem>>) offsets(%arg5 : memref<80xi32, #tpu.memory_space<vmem>>) semaphore(%arg7 : memref<!tpu.dma_semaphore, #tpu.memory_space<semaphore_mem>>)
    %dma_wait3A = arith.constant 0 : i32
    %dma_wait3A_5 = arith.constant 0 : i32
    %dma_wait3A_6 = tpu.memref_slice %arg2[%dma_wait3A, %dma_wait3A_5] : memref<2048x1024xf32, #tpu.memory_space<hbm>> -> memref<2048x1024xf32, #tpu.memory_space<hbm>>
    tpu.wait_indirect_dma semaphore(%arg7 : memref<!tpu.dma_semaphore, #tpu.memory_space<semaphore_mem>>) src(%dma_wait3A_6 : memref<2048x1024xf32, #tpu.memory_space<hbm>>) dst(%arg6 : memref<80x1024xf32, #tpu.memory_space<vmem>>)
    "tpu.region"() ({
      %run_scoped3A = tpu.sem_alloc : memref<!tpu.dma_semaphore, #tpu.memory_space<semaphore_mem>>
      %dma_start3A_7 = arith.constant 0 : i32
      %dma_start3A_8 = tpu.memref_slice %arg4[%mul3A_2, %dma_start3A_7] : memref<2560x1024xf32, #tpu.memory_space<hbm>> -> memref<80x1024xf32, #tpu.memory_space<hbm>>
      %dma_start3A_9 = arith.constant 0 : i32
      %dma_start3A_10 = tpu.memref_slice %arg4[%mul3A_2, %dma_start3A_9] : memref<2560x1024xf32, #tpu.memory_space<hbm>> -> memref<80x1024xf32, #tpu.memory_space<hbm>>
      tpu.enqueue_dma source(%arg6 : memref<80x1024xf32, #tpu.memory_space<vmem>>) target(%dma_start3A_10 : memref<80x1024xf32, #tpu.memory_space<hbm>>) target_semaphore(%run_scoped3A : memref<!tpu.dma_semaphore, #tpu.memory_space<semaphore_mem>>)
      %dma_wait3A_11 = arith.constant 0 : i32
      %dma_wait3A_12 = tpu.memref_slice %arg4[%mul3A_2, %dma_wait3A_11] : memref<2560x1024xf32, #tpu.memory_space<hbm>> -> memref<80x1024xf32, #tpu.memory_space<hbm>>
      %dma_wait3A_13 = arith.constant 0 : i32
      %dma_wait3A_14 = tpu.memref_slice %arg4[%mul3A_2, %dma_wait3A_13] : memref<2560x1024xf32, #tpu.memory_space<hbm>> -> memref<80x1024xf32, #tpu.memory_space<hbm>>
      tpu.wait_dma2 semaphore(%run_scoped3A : memref<!tpu.dma_semaphore, #tpu.memory_space<semaphore_mem>>) src(%arg6 : memref<80x1024xf32, #tpu.memory_space<vmem>>) dst(%dma_wait3A_14 : memref<80x1024xf32, #tpu.memory_space<hbm>>)
      tpu.yield
    }) : () -> ()
    return
  }
}

module attributes {stable_mosaic.version = 14 : i64} {
  func.func @kfn(%arg0: i32, %arg1: i32, %arg2: memref<256x1024xf32, #tpu.memory_space<vmem>>, %arg3: memref<1024x512xf32, #tpu.memory_space<vmem>>, %arg4: memref<256x512xf32, #tpu.memory_space<vmem>>) attributes {dimension_semantics = [#tpu.dimension_semantics<arbitrary>, #tpu.dimension_semantics<arbitrary>], iteration_bounds = array<i64: 8, 6>, scalar_prefetch = 0 : i64, scratch_operands = 0 : i64, tpu.core_type = #tpu.core_type<tc>, window_params = [{transform_indices = @transform_0, window_bounds = array<i64: 256, 1024>}, {transform_indices = @transform_1, window_bounds = array<i64: 1024, 512>}, {transform_indices = @transform_2, window_bounds = array<i64: 256, 512>}]} {
    %get3A = arith.constant 0 : index
    %get3A_0 = arith.constant 0 : index
    %get3A_1 = vector.load %arg2[%get3A, %get3A_0] : memref<256x1024xf32, #tpu.memory_space<vmem>>, vector<256x1024xf32>
    %get3A_2 = arith.constant 0 : index
    %get3A_3 = arith.constant 0 : index
    %get3A_4 = vector.load %arg3[%get3A_2, %get3A_3] : memref<1024x512xf32, #tpu.memory_space<vmem>>, vector<1024x512xf32>
    %dot_general3A = arith.constant dense<0.000000e+00> : vector<256x512xf32>
    %dot_general3A_5 = tpu.matmul %get3A_1, %get3A_4, %dot_general3A {dimension_numbers = #tpu.dot_dimension_numbers<[1], [0], [0], [1], [0, 0, 1, 1], [], []>, transpose_lhs_hint = false} : vector<256x1024xf32>, vector<1024x512xf32>, vector<256x512xf32> -> vector<256x512xf32>
    %swap3A = arith.constant 0 : index
    %swap3A_6 = arith.constant 0 : index
    %swap3A_7 = vector.load %arg4[%swap3A, %swap3A_6] : memref<256x512xf32, #tpu.memory_space<vmem>>, vector<256x512xf32>
    tpu.vector_store %arg4[%swap3A, %swap3A_6], %dot_general3A_5 {strides = array<i32>} : memref<256x512xf32, #tpu.memory_space<vmem>>, vector<256x512xf32>,
    return
  }
  func.func @transform_0(%arg0: i32, %arg1: i32) -> (i32, i32) {
    %c0_i32 = arith.constant 0 : i32
    %c0_i32_0 = arith.constant 0 : i32
    return %arg0, %c0_i32 : i32, i32
  }
  func.func @transform_1(%arg0: i32, %arg1: i32) -> (i32, i32) {
    %c0_i32 = arith.constant 0 : i32
    %c0_i32_0 = arith.constant 0 : i32
    return %c0_i32, %arg1 : i32, i32
  }
  func.func @transform_2(%arg0: i32, %arg1: i32) -> (i32, i32) {
    %c0_i32 = arith.constant 0 : i32
    return %arg0, %arg1 : i32, i32
  }
}

module attributes {stable_mosaic.version = 14 : i64} {
  func.func @_attn_scores_kernel(%arg0: i32, %arg1: i32, %arg2: memref<1x512x64xf32, #tpu.memory_space<vmem>>, %arg3: memref<1x2048x64xf32, #tpu.memory_space<vmem>>, %arg4: memref<1x512x2048xf32, #tpu.memory_space<vmem>>) attributes {dimension_semantics = [#tpu.dimension_semantics<arbitrary>, #tpu.dimension_semantics<arbitrary>], iteration_bounds = array<i64: 16, 4>, scalar_prefetch = 0 : i64, scratch_operands = 0 : i64, tpu.core_type = #tpu.core_type<tc>, window_params = [{transform_indices = @transform_0, window_bounds = array<i64: 1, 512, 64>}, {transform_indices = @transform_1, window_bounds = array<i64: 1, 2048, 64>}, {transform_indices = @transform_2, window_bounds = array<i64: 1, 512, 2048>}]} {
    %mul3A = arith.constant 512 : i32
    %mul3A_0 = arith.muli %arg1, %mul3A : i32
    %iota3A = tpu.iota {dimensions = array<i32: 0>} : vector<512x2048xi32>
    %add3A = vector.broadcast %mul3A_0 : i32 to vector<512x2048xi32>
    %add3A_1 = arith.addi %add3A, %iota3A : vector<512x2048xi32>
    %iota3A_2 = tpu.iota {dimensions = array<i32: 1>} : vector<512x2048xi32>
    %eq3A = arith.constant 0 : i32
    %eq3A_3 = arith.cmpi eq, %arg1, %eq3A : i32
    %convert_element_type3A = arith.extui %eq3A_3 : i1 to i32
    %cond3A = arith.constant 0 : i32
    %cond3A_4 = arith.cmpi ne, %convert_element_type3A, %cond3A : i32
    scf.if %cond3A_4 {
      %get3A = arith.constant 0 : index
      %get3A_20 = arith.constant 0 : index
      %get3A_21 = arith.constant 0 : index
      %get3A_22 = vector.load %arg2[%get3A, %get3A_20, %get3A_21] : memref<1x512x64xf32, #tpu.memory_space<vmem>>, vector<1x512x64xf32>
      %get3A_23 = vector.shape_cast %get3A_22 : vector<1x512x64xf32> to vector<512x64xf32>
      %get3A_24 = arith.constant 0 : index
      %get3A_25 = arith.constant 0 : index
      %get3A_26 = arith.constant 0 : index
      %get3A_27 = vector.load %arg3[%get3A_24, %get3A_25, %get3A_26] : memref<1x2048x64xf32, #tpu.memory_space<vmem>>, vector<1x512x64xf32>
      %get3A_28 = vector.shape_cast %get3A_27 : vector<1x512x64xf32> to vector<512x64xf32>
      %dot_general3A = arith.constant dense<0.000000e+00> : vector<512x512xf32>
      %dot_general3A_29 = tpu.matmul %get3A_23, %get3A_28, %dot_general3A {dimension_numbers = #tpu.dot_dimension_numbers<[1], [1], [0], [0], [0, 0, 1, 0], [], []>, transpose_lhs_hint = false} : vector<512x64xf32>, vector<512x64xf32>, vector<512x512xf32> -> vector<512x512xf32>
      %div3A = arith.constant 8.000000e+00 : f32
      %div3A_30 = vector.broadcast %div3A : f32 to vector<512x512xf32>
      %div3A_31 = arith.divf %dot_general3A_29, %div3A_30 : vector<512x512xf32>
      %broadcast_in_dim3A = arith.constant -1.000000e+30 : f32
      %broadcast_in_dim3A_32 = vector.broadcast %broadcast_in_dim3A : f32 to vector<512x1536xf32>
      %concatenate3A = tpu.concatenate %div3A_31, %broadcast_in_dim3A_32 in 1 : vector<512x512xf32>, vector<512x1536xf32> -> vector<512x2048xf32>
      %gt3A = arith.cmpi sgt, %iota3A_2, %add3A_1 : vector<512x2048xi32>
      %jit3A = arith.constant -1.000000e+30 : f32
      %broadcast_in_dim3A_33 = vector.broadcast %jit3A : f32 to vector<512x2048xf32>
      %select_n3A = arith.select %gt3A, %broadcast_in_dim3A_33, %concatenate3A : vector<512x2048xi1>, vector<512x2048xf32>
      %swap3A = arith.constant 0 : index
      %swap3A_34 = arith.constant 0 : index
      %swap3A_35 = arith.constant 0 : index
      %swap3A_36 = vector.load %arg4[%swap3A, %swap3A_34, %swap3A_35] : memref<1x512x2048xf32, #tpu.memory_space<vmem>>, vector<1x512x2048xf32>
      %swap3A_37 = vector.shape_cast %swap3A_36 : vector<1x512x2048xf32> to vector<512x2048xf32>
      %swap3A_38 = vector.shape_cast %select_n3A : vector<512x2048xf32> to vector<1x512x2048xf32>
      tpu.vector_store %arg4[%swap3A, %swap3A_34, %swap3A_35], %swap3A_38 {strides = array<i32>} : memref<1x512x2048xf32, #tpu.memory_space<vmem>>, vector<1x512x2048xf32>,
    } else {
    }
    %eq3A_5 = arith.constant 1 : i32
    %eq3A_6 = arith.cmpi eq, %arg1, %eq3A_5 : i32
    %convert_element_type3A_7 = arith.extui %eq3A_6 : i1 to i32
    %cond3A_8 = arith.constant 0 : i32
    %cond3A_9 = arith.cmpi ne, %convert_element_type3A_7, %cond3A_8 : i32
    scf.if %cond3A_9 {
      %get3A = arith.constant 0 : index
      %get3A_20 = arith.constant 0 : index
      %get3A_21 = arith.constant 0 : index
      %get3A_22 = vector.load %arg2[%get3A, %get3A_20, %get3A_21] : memref<1x512x64xf32, #tpu.memory_space<vmem>>, vector<1x512x64xf32>
      %get3A_23 = vector.shape_cast %get3A_22 : vector<1x512x64xf32> to vector<512x64xf32>
      %get3A_24 = arith.constant 0 : index
      %get3A_25 = arith.constant 0 : index
      %get3A_26 = arith.constant 0 : index
      %get3A_27 = vector.load %arg3[%get3A_24, %get3A_25, %get3A_26] : memref<1x2048x64xf32, #tpu.memory_space<vmem>>, vector<1x1024x64xf32>
      %get3A_28 = vector.shape_cast %get3A_27 : vector<1x1024x64xf32> to vector<1024x64xf32>
      %dot_general3A = arith.constant dense<0.000000e+00> : vector<512x1024xf32>
      %dot_general3A_29 = tpu.matmul %get3A_23, %get3A_28, %dot_general3A {dimension_numbers = #tpu.dot_dimension_numbers<[1], [1], [0], [0], [0, 0, 1, 0], [], []>, transpose_lhs_hint = false} : vector<512x64xf32>, vector<1024x64xf32>, vector<512x1024xf32> -> vector<512x1024xf32>
      %div3A = arith.constant 8.000000e+00 : f32
      %div3A_30 = vector.broadcast %div3A : f32 to vector<512x1024xf32>
      %div3A_31 = arith.divf %dot_general3A_29, %div3A_30 : vector<512x1024xf32>
      %broadcast_in_dim3A = arith.constant -1.000000e+30 : f32
      %broadcast_in_dim3A_32 = vector.broadcast %broadcast_in_dim3A : f32 to vector<512x1024xf32>
      %concatenate3A = tpu.concatenate %div3A_31, %broadcast_in_dim3A_32 in 1 : vector<512x1024xf32>, vector<512x1024xf32> -> vector<512x2048xf32>
      %gt3A = arith.cmpi sgt, %iota3A_2, %add3A_1 : vector<512x2048xi32>
      %jit3A = arith.constant -1.000000e+30 : f32
      %broadcast_in_dim3A_33 = vector.broadcast %jit3A : f32 to vector<512x2048xf32>
      %select_n3A = arith.select %gt3A, %broadcast_in_dim3A_33, %concatenate3A : vector<512x2048xi1>, vector<512x2048xf32>
      %swap3A = arith.constant 0 : index
      %swap3A_34 = arith.constant 0 : index
      %swap3A_35 = arith.constant 0 : index
      %swap3A_36 = vector.load %arg4[%swap3A, %swap3A_34, %swap3A_35] : memref<1x512x2048xf32, #tpu.memory_space<vmem>>, vector<1x512x2048xf32>
      %swap3A_37 = vector.shape_cast %swap3A_36 : vector<1x512x2048xf32> to vector<512x2048xf32>
      %swap3A_38 = vector.shape_cast %select_n3A : vector<512x2048xf32> to vector<1x512x2048xf32>
      tpu.vector_store %arg4[%swap3A, %swap3A_34, %swap3A_35], %swap3A_38 {strides = array<i32>} : memref<1x512x2048xf32, #tpu.memory_space<vmem>>, vector<1x512x2048xf32>,
    } else {
    }
    %eq3A_10 = arith.constant 2 : i32
    %eq3A_11 = arith.cmpi eq, %arg1, %eq3A_10 : i32
    %convert_element_type3A_12 = arith.extui %eq3A_11 : i1 to i32
    %cond3A_13 = arith.constant 0 : i32
    %cond3A_14 = arith.cmpi ne, %convert_element_type3A_12, %cond3A_13 : i32
    scf.if %cond3A_14 {
      %get3A = arith.constant 0 : index
      %get3A_20 = arith.constant 0 : index
      %get3A_21 = arith.constant 0 : index
      %get3A_22 = vector.load %arg2[%get3A, %get3A_20, %get3A_21] : memref<1x512x64xf32, #tpu.memory_space<vmem>>, vector<1x512x64xf32>
      %get3A_23 = vector.shape_cast %get3A_22 : vector<1x512x64xf32> to vector<512x64xf32>
      %get3A_24 = arith.constant 0 : index
      %get3A_25 = arith.constant 0 : index
      %get3A_26 = arith.constant 0 : index
      %get3A_27 = vector.load %arg3[%get3A_24, %get3A_25, %get3A_26] : memref<1x2048x64xf32, #tpu.memory_space<vmem>>, vector<1x1536x64xf32>
      %get3A_28 = vector.shape_cast %get3A_27 : vector<1x1536x64xf32> to vector<1536x64xf32>
      %dot_general3A = arith.constant dense<0.000000e+00> : vector<512x1536xf32>
      %dot_general3A_29 = tpu.matmul %get3A_23, %get3A_28, %dot_general3A {dimension_numbers = #tpu.dot_dimension_numbers<[1], [1], [0], [0], [0, 0, 1, 0], [], []>, transpose_lhs_hint = false} : vector<512x64xf32>, vector<1536x64xf32>, vector<512x1536xf32> -> vector<512x1536xf32>
      %div3A = arith.constant 8.000000e+00 : f32
      %div3A_30 = vector.broadcast %div3A : f32 to vector<512x1536xf32>
      %div3A_31 = arith.divf %dot_general3A_29, %div3A_30 : vector<512x1536xf32>
      %broadcast_in_dim3A = arith.constant -1.000000e+30 : f32
      %broadcast_in_dim3A_32 = vector.broadcast %broadcast_in_dim3A : f32 to vector<512x512xf32>
      %concatenate3A = tpu.concatenate %div3A_31, %broadcast_in_dim3A_32 in 1 : vector<512x1536xf32>, vector<512x512xf32> -> vector<512x2048xf32>
      %gt3A = arith.cmpi sgt, %iota3A_2, %add3A_1 : vector<512x2048xi32>
      %jit3A = arith.constant -1.000000e+30 : f32
      %broadcast_in_dim3A_33 = vector.broadcast %jit3A : f32 to vector<512x2048xf32>
      %select_n3A = arith.select %gt3A, %broadcast_in_dim3A_33, %concatenate3A : vector<512x2048xi1>, vector<512x2048xf32>
      %swap3A = arith.constant 0 : index
      %swap3A_34 = arith.constant 0 : index
      %swap3A_35 = arith.constant 0 : index
      %swap3A_36 = vector.load %arg4[%swap3A, %swap3A_34, %swap3A_35] : memref<1x512x2048xf32, #tpu.memory_space<vmem>>, vector<1x512x2048xf32>
      %swap3A_37 = vector.shape_cast %swap3A_36 : vector<1x512x2048xf32> to vector<512x2048xf32>
      %swap3A_38 = vector.shape_cast %select_n3A : vector<512x2048xf32> to vector<1x512x2048xf32>
      tpu.vector_store %arg4[%swap3A, %swap3A_34, %swap3A_35], %swap3A_38 {strides = array<i32>} : memref<1x512x2048xf32, #tpu.memory_space<vmem>>, vector<1x512x2048xf32>,
    } else {
    }
    %eq3A_15 = arith.constant 3 : i32
    %eq3A_16 = arith.cmpi eq, %arg1, %eq3A_15 : i32
    %convert_element_type3A_17 = arith.extui %eq3A_16 : i1 to i32
    %cond3A_18 = arith.constant 0 : i32
    %cond3A_19 = arith.cmpi ne, %convert_element_type3A_17, %cond3A_18 : i32
    scf.if %cond3A_19 {
      %get3A = arith.constant 0 : index
      %get3A_20 = arith.constant 0 : index
      %get3A_21 = arith.constant 0 : index
      %get3A_22 = vector.load %arg2[%get3A, %get3A_20, %get3A_21] : memref<1x512x64xf32, #tpu.memory_space<vmem>>, vector<1x512x64xf32>
      %get3A_23 = vector.shape_cast %get3A_22 : vector<1x512x64xf32> to vector<512x64xf32>
      %get3A_24 = arith.constant 0 : index
      %get3A_25 = arith.constant 0 : index
      %get3A_26 = arith.constant 0 : index
      %get3A_27 = vector.load %arg3[%get3A_24, %get3A_25, %get3A_26] : memref<1x2048x64xf32, #tpu.memory_space<vmem>>, vector<1x2048x64xf32>
      %get3A_28 = vector.shape_cast %get3A_27 : vector<1x2048x64xf32> to vector<2048x64xf32>
      %dot_general3A = arith.constant dense<0.000000e+00> : vector<512x2048xf32>
      %dot_general3A_29 = tpu.matmul %get3A_23, %get3A_28, %dot_general3A {dimension_numbers = #tpu.dot_dimension_numbers<[1], [1], [0], [0], [0, 0, 1, 0], [], []>, transpose_lhs_hint = false} : vector<512x64xf32>, vector<2048x64xf32>, vector<512x2048xf32> -> vector<512x2048xf32>
      %div3A = arith.constant 8.000000e+00 : f32
      %div3A_30 = vector.broadcast %div3A : f32 to vector<512x2048xf32>
      %div3A_31 = arith.divf %dot_general3A_29, %div3A_30 : vector<512x2048xf32>
      %gt3A = arith.cmpi sgt, %iota3A_2, %add3A_1 : vector<512x2048xi32>
      %jit3A = arith.constant -1.000000e+30 : f32
      %broadcast_in_dim3A = vector.broadcast %jit3A : f32 to vector<512x2048xf32>
      %select_n3A = arith.select %gt3A, %broadcast_in_dim3A, %div3A_31 : vector<512x2048xi1>, vector<512x2048xf32>
      %swap3A = arith.constant 0 : index
      %swap3A_32 = arith.constant 0 : index
      %swap3A_33 = arith.constant 0 : index
      %swap3A_34 = vector.load %arg4[%swap3A, %swap3A_32, %swap3A_33] : memref<1x512x2048xf32, #tpu.memory_space<vmem>>, vector<1x512x2048xf32>
      %swap3A_35 = vector.shape_cast %swap3A_34 : vector<1x512x2048xf32> to vector<512x2048xf32>
      %swap3A_36 = vector.shape_cast %select_n3A : vector<512x2048xf32> to vector<1x512x2048xf32>
      tpu.vector_store %arg4[%swap3A, %swap3A_32, %swap3A_33], %swap3A_36 {strides = array<i32>} : memref<1x512x2048xf32, #tpu.memory_space<vmem>>, vector<1x512x2048xf32>,
    } else {
    }
    return
  }
  func.func @transform_0(%arg0: i32, %arg1: i32) -> (i32, i32, i32) {
    %c0_i32 = arith.constant 0 : i32
    %c0_i32_0 = arith.constant 0 : i32
    return %arg0, %arg1, %c0_i32 : i32, i32, i32
  }
  func.func @transform_1(%arg0: i32, %arg1: i32) -> (i32, i32, i32) {
    %c0_i32 = arith.constant 0 : i32
    %c0_i32_0 = arith.constant 0 : i32
    %c0_i32_1 = arith.constant 0 : i32
    return %arg0, %c0_i32, %c0_i32_0 : i32, i32, i32
  }
  func.func @transform_2(%arg0: i32, %arg1: i32) -> (i32, i32, i32) {
    %c0_i32 = arith.constant 0 : i32
    %c0_i32_0 = arith.constant 0 : i32
    return %arg0, %arg1, %c0_i32 : i32, i32, i32
  }
}

module attributes {stable_mosaic.version = 14 : i64} {
  func.func @_attn_av_kernel(%arg0: i32, %arg1: i32, %arg2: memref<1x512x2048xf32, #tpu.memory_space<vmem>>, %arg3: memref<1x1x1x512xf32, #tpu.memory_space<vmem>>, %arg4: memref<1x2048x64xf32, #tpu.memory_space<vmem>>, %arg5: memref<1x512x64xf32, #tpu.memory_space<vmem>>) attributes {dimension_semantics = [#tpu.dimension_semantics<arbitrary>, #tpu.dimension_semantics<arbitrary>], iteration_bounds = array<i64: 16, 4>, scalar_prefetch = 0 : i64, scratch_operands = 0 : i64, tpu.core_type = #tpu.core_type<tc>, window_params = [{transform_indices = @transform_0, window_bounds = array<i64: 1, 512, 2048>}, {transform_indices = @transform_1, window_bounds = array<i64: 1, 1, 1, 512>}, {transform_indices = @transform_2, window_bounds = array<i64: 1, 2048, 64>}, {transform_indices = @transform_3, window_bounds = array<i64: 1, 512, 64>}]} {
    %eq3A = arith.constant 0 : i32
    %eq3A_0 = arith.cmpi eq, %arg1, %eq3A : i32
    %convert_element_type3A = arith.extui %eq3A_0 : i1 to i32
    %cond3A = arith.constant 0 : i32
    %cond3A_1 = arith.cmpi ne, %convert_element_type3A, %cond3A : i32
    scf.if %cond3A_1 {
      %get3A = arith.constant 0 : index
      %get3A_17 = arith.constant 0 : index
      %get3A_18 = arith.constant 0 : index
      %get3A_19 = vector.load %arg2[%get3A, %get3A_17, %get3A_18] : memref<1x512x2048xf32, #tpu.memory_space<vmem>>, vector<1x512x512xf32>
      %get3A_20 = vector.shape_cast %get3A_19 : vector<1x512x512xf32> to vector<512x512xf32>
      %reduce_max3A = arith.constant dense<0xFF800000> : vector<512xf32>
      %reduce_max3A_21 = vector.multi_reduction <maximumf>, %get3A_20, %reduce_max3A [1] : vector<512x512xf32> to vector<512xf32>
      %broadcast_in_dim3A = vector.shape_cast %reduce_max3A_21 : vector<512xf32> to vector<512x1xf32>
      %sub3A = vector.broadcast %broadcast_in_dim3A : vector<512x1xf32> to vector<512x512xf32>
      %sub3A_22 = arith.subf %get3A_20, %sub3A : vector<512x512xf32>
      %exp3A = math.exp %sub3A_22 : vector<512x512xf32>
      %get3A_23 = arith.constant 0 : index
      %get3A_24 = arith.constant 0 : index
      %get3A_25 = arith.constant 0 : index
      %get3A_26 = arith.constant 0 : index
      %get3A_27 = vector.load %arg3[%get3A_23, %get3A_24, %get3A_25, %get3A_26] : memref<1x1x1x512xf32, #tpu.memory_space<vmem>>, vector<1x1x1x512xf32>
      %get3A_28 = vector.shape_cast %get3A_27 : vector<1x1x1x512xf32> to vector<1x512xf32>
      %transpose3A = tpu.transpose %get3A_28, [1, 0] : vector<1x512xf32> -> vector<512x1xf32>
      %div3A = vector.broadcast %transpose3A : vector<512x1xf32> to vector<512x512xf32>
      %div3A_29 = arith.divf %exp3A, %div3A : vector<512x512xf32>
      %get3A_30 = arith.constant 0 : index
      %get3A_31 = arith.constant 0 : index
      %get3A_32 = arith.constant 0 : index
      %get3A_33 = vector.load %arg4[%get3A_30, %get3A_31, %get3A_32] : memref<1x2048x64xf32, #tpu.memory_space<vmem>>, vector<1x512x64xf32>
      %get3A_34 = vector.shape_cast %get3A_33 : vector<1x512x64xf32> to vector<512x64xf32>
      %dot_general3A = arith.constant dense<0.000000e+00> : vector<512x64xf32>
      %dot_general3A_35 = tpu.matmul %div3A_29, %get3A_34, %dot_general3A {dimension_numbers = #tpu.dot_dimension_numbers<[1], [0], [0], [1], [0, 0, 1, 1], [], []>, transpose_lhs_hint = false} : vector<512x512xf32>, vector<512x64xf32>, vector<512x64xf32> -> vector<512x64xf32>
      %swap3A = arith.constant 0 : index
      %swap3A_36 = arith.constant 0 : index
      %swap3A_37 = arith.constant 0 : index
      %swap3A_38 = vector.load %arg5[%swap3A, %swap3A_36, %swap3A_37] : memref<1x512x64xf32, #tpu.memory_space<vmem>>, vector<1x512x64xf32>
      %swap3A_39 = vector.shape_cast %swap3A_38 : vector<1x512x64xf32> to vector<512x64xf32>
      %swap3A_40 = vector.shape_cast %dot_general3A_35 : vector<512x64xf32> to vector<1x512x64xf32>
      tpu.vector_store %arg5[%swap3A, %swap3A_36, %swap3A_37], %swap3A_40 {strides = array<i32>} : memref<1x512x64xf32, #tpu.memory_space<vmem>>, vector<1x512x64xf32>,
    } else {
    }
    %eq3A_2 = arith.constant 1 : i32
    %eq3A_3 = arith.cmpi eq, %arg1, %eq3A_2 : i32
    %convert_element_type3A_4 = arith.extui %eq3A_3 : i1 to i32
    %cond3A_5 = arith.constant 0 : i32
    %cond3A_6 = arith.cmpi ne, %convert_element_type3A_4, %cond3A_5 : i32
    scf.if %cond3A_6 {
      %get3A = arith.constant 0 : index
      %get3A_17 = arith.constant 0 : index
      %get3A_18 = arith.constant 0 : index
      %get3A_19 = vector.load %arg2[%get3A, %get3A_17, %get3A_18] : memref<1x512x2048xf32, #tpu.memory_space<vmem>>, vector<1x512x1024xf32>
      %get3A_20 = vector.shape_cast %get3A_19 : vector<1x512x1024xf32> to vector<512x1024xf32>
      %reduce_max3A = arith.constant dense<0xFF800000> : vector<512xf32>
      %reduce_max3A_21 = vector.multi_reduction <maximumf>, %get3A_20, %reduce_max3A [1] : vector<512x1024xf32> to vector<512xf32>
      %broadcast_in_dim3A = vector.shape_cast %reduce_max3A_21 : vector<512xf32> to vector<512x1xf32>
      %sub3A = vector.broadcast %broadcast_in_dim3A : vector<512x1xf32> to vector<512x1024xf32>
      %sub3A_22 = arith.subf %get3A_20, %sub3A : vector<512x1024xf32>
      %exp3A = math.exp %sub3A_22 : vector<512x1024xf32>
      %get3A_23 = arith.constant 0 : index
      %get3A_24 = arith.constant 0 : index
      %get3A_25 = arith.constant 0 : index
      %get3A_26 = arith.constant 0 : index
      %get3A_27 = vector.load %arg3[%get3A_23, %get3A_24, %get3A_25, %get3A_26] : memref<1x1x1x512xf32, #tpu.memory_space<vmem>>, vector<1x1x1x512xf32>
      %get3A_28 = vector.shape_cast %get3A_27 : vector<1x1x1x512xf32> to vector<1x512xf32>
      %transpose3A = tpu.transpose %get3A_28, [1, 0] : vector<1x512xf32> -> vector<512x1xf32>
      %div3A = vector.broadcast %transpose3A : vector<512x1xf32> to vector<512x1024xf32>
      %div3A_29 = arith.divf %exp3A, %div3A : vector<512x1024xf32>
      %get3A_30 = arith.constant 0 : index
      %get3A_31 = arith.constant 0 : index
      %get3A_32 = arith.constant 0 : index
      %get3A_33 = vector.load %arg4[%get3A_30, %get3A_31, %get3A_32] : memref<1x2048x64xf32, #tpu.memory_space<vmem>>, vector<1x1024x64xf32>
      %get3A_34 = vector.shape_cast %get3A_33 : vector<1x1024x64xf32> to vector<1024x64xf32>
      %dot_general3A = arith.constant dense<0.000000e+00> : vector<512x64xf32>
      %dot_general3A_35 = tpu.matmul %div3A_29, %get3A_34, %dot_general3A {dimension_numbers = #tpu.dot_dimension_numbers<[1], [0], [0], [1], [0, 0, 1, 1], [], []>, transpose_lhs_hint = false} : vector<512x1024xf32>, vector<1024x64xf32>, vector<512x64xf32> -> vector<512x64xf32>
      %swap3A = arith.constant 0 : index
      %swap3A_36 = arith.constant 0 : index
      %swap3A_37 = arith.constant 0 : index
      %swap3A_38 = vector.load %arg5[%swap3A, %swap3A_36, %swap3A_37] : memref<1x512x64xf32, #tpu.memory_space<vmem>>, vector<1x512x64xf32>
      %swap3A_39 = vector.shape_cast %swap3A_38 : vector<1x512x64xf32> to vector<512x64xf32>
      %swap3A_40 = vector.shape_cast %dot_general3A_35 : vector<512x64xf32> to vector<1x512x64xf32>
      tpu.vector_store %arg5[%swap3A, %swap3A_36, %swap3A_37], %swap3A_40 {strides = array<i32>} : memref<1x512x64xf32, #tpu.memory_space<vmem>>, vector<1x512x64xf32>,
    } else {
    }
    %eq3A_7 = arith.constant 2 : i32
    %eq3A_8 = arith.cmpi eq, %arg1, %eq3A_7 : i32
    %convert_element_type3A_9 = arith.extui %eq3A_8 : i1 to i32
    %cond3A_10 = arith.constant 0 : i32
    %cond3A_11 = arith.cmpi ne, %convert_element_type3A_9, %cond3A_10 : i32
    scf.if %cond3A_11 {
      %get3A = arith.constant 0 : index
      %get3A_17 = arith.constant 0 : index
      %get3A_18 = arith.constant 0 : index
      %get3A_19 = vector.load %arg2[%get3A, %get3A_17, %get3A_18] : memref<1x512x2048xf32, #tpu.memory_space<vmem>>, vector<1x512x1536xf32>
      %get3A_20 = vector.shape_cast %get3A_19 : vector<1x512x1536xf32> to vector<512x1536xf32>
      %reduce_max3A = arith.constant dense<0xFF800000> : vector<512xf32>
      %reduce_max3A_21 = vector.multi_reduction <maximumf>, %get3A_20, %reduce_max3A [1] : vector<512x1536xf32> to vector<512xf32>
      %broadcast_in_dim3A = vector.shape_cast %reduce_max3A_21 : vector<512xf32> to vector<512x1xf32>
      %sub3A = vector.broadcast %broadcast_in_dim3A : vector<512x1xf32> to vector<512x1536xf32>
      %sub3A_22 = arith.subf %get3A_20, %sub3A : vector<512x1536xf32>
      %exp3A = math.exp %sub3A_22 : vector<512x1536xf32>
      %get3A_23 = arith.constant 0 : index
      %get3A_24 = arith.constant 0 : index
      %get3A_25 = arith.constant 0 : index
      %get3A_26 = arith.constant 0 : index
      %get3A_27 = vector.load %arg3[%get3A_23, %get3A_24, %get3A_25, %get3A_26] : memref<1x1x1x512xf32, #tpu.memory_space<vmem>>, vector<1x1x1x512xf32>
      %get3A_28 = vector.shape_cast %get3A_27 : vector<1x1x1x512xf32> to vector<1x512xf32>
      %transpose3A = tpu.transpose %get3A_28, [1, 0] : vector<1x512xf32> -> vector<512x1xf32>
      %div3A = vector.broadcast %transpose3A : vector<512x1xf32> to vector<512x1536xf32>
      %div3A_29 = arith.divf %exp3A, %div3A : vector<512x1536xf32>
      %get3A_30 = arith.constant 0 : index
      %get3A_31 = arith.constant 0 : index
      %get3A_32 = arith.constant 0 : index
      %get3A_33 = vector.load %arg4[%get3A_30, %get3A_31, %get3A_32] : memref<1x2048x64xf32, #tpu.memory_space<vmem>>, vector<1x1536x64xf32>
      %get3A_34 = vector.shape_cast %get3A_33 : vector<1x1536x64xf32> to vector<1536x64xf32>
      %dot_general3A = arith.constant dense<0.000000e+00> : vector<512x64xf32>
      %dot_general3A_35 = tpu.matmul %div3A_29, %get3A_34, %dot_general3A {dimension_numbers = #tpu.dot_dimension_numbers<[1], [0], [0], [1], [0, 0, 1, 1], [], []>, transpose_lhs_hint = false} : vector<512x1536xf32>, vector<1536x64xf32>, vector<512x64xf32> -> vector<512x64xf32>
      %swap3A = arith.constant 0 : index
      %swap3A_36 = arith.constant 0 : index
      %swap3A_37 = arith.constant 0 : index
      %swap3A_38 = vector.load %arg5[%swap3A, %swap3A_36, %swap3A_37] : memref<1x512x64xf32, #tpu.memory_space<vmem>>, vector<1x512x64xf32>
      %swap3A_39 = vector.shape_cast %swap3A_38 : vector<1x512x64xf32> to vector<512x64xf32>
      %swap3A_40 = vector.shape_cast %dot_general3A_35 : vector<512x64xf32> to vector<1x512x64xf32>
      tpu.vector_store %arg5[%swap3A, %swap3A_36, %swap3A_37], %swap3A_40 {strides = array<i32>} : memref<1x512x64xf32, #tpu.memory_space<vmem>>, vector<1x512x64xf32>,
    } else {
    }
    %eq3A_12 = arith.constant 3 : i32
    %eq3A_13 = arith.cmpi eq, %arg1, %eq3A_12 : i32
    %convert_element_type3A_14 = arith.extui %eq3A_13 : i1 to i32
    %cond3A_15 = arith.constant 0 : i32
    %cond3A_16 = arith.cmpi ne, %convert_element_type3A_14, %cond3A_15 : i32
    scf.if %cond3A_16 {
      %get3A = arith.constant 0 : index
      %get3A_17 = arith.constant 0 : index
      %get3A_18 = arith.constant 0 : index
      %get3A_19 = vector.load %arg2[%get3A, %get3A_17, %get3A_18] : memref<1x512x2048xf32, #tpu.memory_space<vmem>>, vector<1x512x2048xf32>
      %get3A_20 = vector.shape_cast %get3A_19 : vector<1x512x2048xf32> to vector<512x2048xf32>
      %reduce_max3A = arith.constant dense<0xFF800000> : vector<512xf32>
      %reduce_max3A_21 = vector.multi_reduction <maximumf>, %get3A_20, %reduce_max3A [1] : vector<512x2048xf32> to vector<512xf32>
      %broadcast_in_dim3A = vector.shape_cast %reduce_max3A_21 : vector<512xf32> to vector<512x1xf32>
      %sub3A = vector.broadcast %broadcast_in_dim3A : vector<512x1xf32> to vector<512x2048xf32>
      %sub3A_22 = arith.subf %get3A_20, %sub3A : vector<512x2048xf32>
      %exp3A = math.exp %sub3A_22 : vector<512x2048xf32>
      %get3A_23 = arith.constant 0 : index
      %get3A_24 = arith.constant 0 : index
      %get3A_25 = arith.constant 0 : index
      %get3A_26 = arith.constant 0 : index
      %get3A_27 = vector.load %arg3[%get3A_23, %get3A_24, %get3A_25, %get3A_26] : memref<1x1x1x512xf32, #tpu.memory_space<vmem>>, vector<1x1x1x512xf32>
      %get3A_28 = vector.shape_cast %get3A_27 : vector<1x1x1x512xf32> to vector<1x512xf32>
      %transpose3A = tpu.transpose %get3A_28, [1, 0] : vector<1x512xf32> -> vector<512x1xf32>
      %div3A = vector.broadcast %transpose3A : vector<512x1xf32> to vector<512x2048xf32>
      %div3A_29 = arith.divf %exp3A, %div3A : vector<512x2048xf32>
      %get3A_30 = arith.constant 0 : index
      %get3A_31 = arith.constant 0 : index
      %get3A_32 = arith.constant 0 : index
      %get3A_33 = vector.load %arg4[%get3A_30, %get3A_31, %get3A_32] : memref<1x2048x64xf32, #tpu.memory_space<vmem>>, vector<1x2048x64xf32>
      %get3A_34 = vector.shape_cast %get3A_33 : vector<1x2048x64xf32> to vector<2048x64xf32>
      %dot_general3A = arith.constant dense<0.000000e+00> : vector<512x64xf32>
      %dot_general3A_35 = tpu.matmul %div3A_29, %get3A_34, %dot_general3A {dimension_numbers = #tpu.dot_dimension_numbers<[1], [0], [0], [1], [0, 0, 1, 1], [], []>, transpose_lhs_hint = false} : vector<512x2048xf32>, vector<2048x64xf32>, vector<512x64xf32> -> vector<512x64xf32>
      %swap3A = arith.constant 0 : index
      %swap3A_36 = arith.constant 0 : index
      %swap3A_37 = arith.constant 0 : index
      %swap3A_38 = vector.load %arg5[%swap3A, %swap3A_36, %swap3A_37] : memref<1x512x64xf32, #tpu.memory_space<vmem>>, vector<1x512x64xf32>
      %swap3A_39 = vector.shape_cast %swap3A_38 : vector<1x512x64xf32> to vector<512x64xf32>
      %swap3A_40 = vector.shape_cast %dot_general3A_35 : vector<512x64xf32> to vector<1x512x64xf32>
      tpu.vector_store %arg5[%swap3A, %swap3A_36, %swap3A_37], %swap3A_40 {strides = array<i32>} : memref<1x512x64xf32, #tpu.memory_space<vmem>>, vector<1x512x64xf32>,
    } else {
    }
    return
  }
  func.func @transform_0(%arg0: i32, %arg1: i32) -> (i32, i32, i32) {
    %c0_i32 = arith.constant 0 : i32
    %c0_i32_0 = arith.constant 0 : i32
    return %arg0, %arg1, %c0_i32 : i32, i32, i32
  }
  func.func @transform_1(%arg0: i32, %arg1: i32) -> (i32, i32, i32, i32) {
    %c0_i32 = arith.constant 0 : i32
    %c0_i32_0 = arith.constant 0 : i32
    %c0_i32_1 = arith.constant 0 : i32
    return %arg0, %arg1, %c0_i32, %c0_i32_0 : i32, i32, i32, i32
  }
  func.func @transform_2(%arg0: i32, %arg1: i32) -> (i32, i32, i32) {
    %c0_i32 = arith.constant 0 : i32
    %c0_i32_0 = arith.constant 0 : i32
    %c0_i32_1 = arith.constant 0 : i32
    return %arg0, %c0_i32, %c0_i32_0 : i32, i32, i32
  }
  func.func @transform_3(%arg0: i32, %arg1: i32) -> (i32, i32, i32) {
    %c0_i32 = arith.constant 0 : i32
    %c0_i32_0 = arith.constant 0 : i32
    return %arg0, %arg1, %c0_i32 : i32, i32, i32
  }
}

module attributes {stable_mosaic.version = 14 : i64} {
  func.func @kfn(%arg0: i32, %arg1: i32, %arg2: memref<256x1024xf32, #tpu.memory_space<vmem>>, %arg3: memref<1024x512xf32, #tpu.memory_space<vmem>>, %arg4: memref<256x512xf32, #tpu.memory_space<vmem>>, %arg5: memref<256x512xf32, #tpu.memory_space<vmem>>) attributes {dimension_semantics = [#tpu.dimension_semantics<arbitrary>, #tpu.dimension_semantics<arbitrary>], iteration_bounds = array<i64: 8, 2>, scalar_prefetch = 0 : i64, scratch_operands = 0 : i64, tpu.core_type = #tpu.core_type<tc>, window_params = [{transform_indices = @transform_0, window_bounds = array<i64: 256, 1024>}, {transform_indices = @transform_1, window_bounds = array<i64: 1024, 512>}, {transform_indices = @transform_2, window_bounds = array<i64: 256, 512>}, {transform_indices = @transform_3, window_bounds = array<i64: 256, 512>}]} {
    %get3A = arith.constant 0 : index
    %get3A_0 = arith.constant 0 : index
    %get3A_1 = vector.load %arg2[%get3A, %get3A_0] : memref<256x1024xf32, #tpu.memory_space<vmem>>, vector<256x1024xf32>
    %get3A_2 = arith.constant 0 : index
    %get3A_3 = arith.constant 0 : index
    %get3A_4 = vector.load %arg3[%get3A_2, %get3A_3] : memref<1024x512xf32, #tpu.memory_space<vmem>>, vector<1024x512xf32>
    %dot_general3A = arith.constant dense<0.000000e+00> : vector<256x512xf32>
    %dot_general3A_5 = tpu.matmul %get3A_1, %get3A_4, %dot_general3A {dimension_numbers = #tpu.dot_dimension_numbers<[1], [0], [0], [1], [0, 0, 1, 1], [], []>, transpose_lhs_hint = false} : vector<256x1024xf32>, vector<1024x512xf32>, vector<256x512xf32> -> vector<256x512xf32>
    %get3A_6 = arith.constant 0 : index
    %get3A_7 = arith.constant 0 : index
    %get3A_8 = vector.load %arg4[%get3A_6, %get3A_7] : memref<256x512xf32, #tpu.memory_space<vmem>>, vector<256x512xf32>
    %add3A = arith.addf %dot_general3A_5, %get3A_8 : vector<256x512xf32>
    %swap3A = arith.constant 0 : index
    %swap3A_9 = arith.constant 0 : index
    %swap3A_10 = vector.load %arg5[%swap3A, %swap3A_9] : memref<256x512xf32, #tpu.memory_space<vmem>>, vector<256x512xf32>
    tpu.vector_store %arg5[%swap3A, %swap3A_9], %add3A {strides = array<i32>} : memref<256x512xf32, #tpu.memory_space<vmem>>, vector<256x512xf32>,
    return
  }
  func.func @transform_0(%arg0: i32, %arg1: i32) -> (i32, i32) {
    %c0_i32 = arith.constant 0 : i32
    %c0_i32_0 = arith.constant 0 : i32
    return %arg0, %c0_i32 : i32, i32
  }
  func.func @transform_1(%arg0: i32, %arg1: i32) -> (i32, i32) {
    %c0_i32 = arith.constant 0 : i32
    %c0_i32_0 = arith.constant 0 : i32
    return %c0_i32, %arg1 : i32, i32
  }
  func.func @transform_2(%arg0: i32, %arg1: i32) -> (i32, i32) {
    %c0_i32 = arith.constant 0 : i32
    return %arg0, %arg1 : i32, i32
  }
  func.func @transform_3(%arg0: i32, %arg1: i32) -> (i32, i32) {
    %c0_i32 = arith.constant 0 : i32
    return %arg0, %arg1 : i32, i32
  }
}

module attributes {stable_mosaic.version = 14 : i64} {
  func.func @kfn(%arg0: i32, %arg1: i32, %arg2: memref<256x1024xf32, #tpu.memory_space<vmem>>, %arg3: memref<1024x512xf32, #tpu.memory_space<vmem>>, %arg4: memref<1x512xf32, #tpu.memory_space<vmem>>, %arg5: memref<256x512xf32, #tpu.memory_space<vmem>>) attributes {dimension_semantics = [#tpu.dimension_semantics<arbitrary>, #tpu.dimension_semantics<arbitrary>], iteration_bounds = array<i64: 1, 4>, scalar_prefetch = 0 : i64, scratch_operands = 0 : i64, tpu.core_type = #tpu.core_type<tc>, window_params = [{transform_indices = @transform_0, window_bounds = array<i64: 256, 1024>}, {transform_indices = @transform_1, window_bounds = array<i64: 1024, 512>}, {transform_indices = @transform_2, window_bounds = array<i64: 1, 512>}, {transform_indices = @transform_3, window_bounds = array<i64: 256, 512>}]} {
    %get3A = arith.constant 0 : index
    %get3A_0 = arith.constant 0 : index
    %get3A_1 = vector.load %arg2[%get3A, %get3A_0] : memref<256x1024xf32, #tpu.memory_space<vmem>>, vector<256x1024xf32>
    %get3A_2 = arith.constant 0 : index
    %get3A_3 = arith.constant 0 : index
    %get3A_4 = vector.load %arg3[%get3A_2, %get3A_3] : memref<1024x512xf32, #tpu.memory_space<vmem>>, vector<1024x512xf32>
    %dot_general3A = arith.constant dense<0.000000e+00> : vector<256x512xf32>
    %dot_general3A_5 = tpu.matmul %get3A_1, %get3A_4, %dot_general3A {dimension_numbers = #tpu.dot_dimension_numbers<[1], [0], [0], [1], [0, 0, 1, 1], [], []>, transpose_lhs_hint = false} : vector<256x1024xf32>, vector<1024x512xf32>, vector<256x512xf32> -> vector<256x512xf32>
    %get3A_6 = arith.constant 0 : index
    %get3A_7 = arith.constant 0 : index
    %get3A_8 = vector.load %arg4[%get3A_6, %get3A_7] : memref<1x512xf32, #tpu.memory_space<vmem>>, vector<1x512xf32>
    %add3A = vector.broadcast %get3A_8 : vector<1x512xf32> to vector<256x512xf32>
    %add3A_9 = arith.addf %dot_general3A_5, %add3A : vector<256x512xf32>
    %swap3A = arith.constant 0 : index
    %swap3A_10 = arith.constant 0 : index
    %swap3A_11 = vector.load %arg5[%swap3A, %swap3A_10] : memref<256x512xf32, #tpu.memory_space<vmem>>, vector<256x512xf32>
    tpu.vector_store %arg5[%swap3A, %swap3A_10], %add3A_9 {strides = array<i32>} : memref<256x512xf32, #tpu.memory_space<vmem>>, vector<256x512xf32>,
    return
  }
  func.func @transform_0(%arg0: i32, %arg1: i32) -> (i32, i32) {
    %c0_i32 = arith.constant 0 : i32
    %c0_i32_0 = arith.constant 0 : i32
    return %arg0, %c0_i32 : i32, i32
  }
  func.func @transform_1(%arg0: i32, %arg1: i32) -> (i32, i32) {
    %c0_i32 = arith.constant 0 : i32
    %c0_i32_0 = arith.constant 0 : i32
    return %c0_i32, %arg1 : i32, i32
  }
  func.func @transform_2(%arg0: i32, %arg1: i32) -> (i32, i32) {
    %c0_i32 = arith.constant 0 : i32
    %c0_i32_0 = arith.constant 0 : i32
    return %c0_i32, %arg1 : i32, i32
  }
  func.func @transform_3(%arg0: i32, %arg1: i32) -> (i32, i32) {
    %c0_i32 = arith.constant 0 : i32
    return %arg0, %arg1 : i32, i32
  }
}

module attributes {stable_mosaic.version = 14 : i64} {
  func.func @kfn(%arg0: i32, %arg1: i32, %arg2: memref<128x1024xf32, #tpu.memory_space<vmem>>, %arg3: memref<1024x512xf32, #tpu.memory_space<vmem>>, %arg4: memref<1x512xf32, #tpu.memory_space<vmem>>, %arg5: memref<128x512xf32, #tpu.memory_space<vmem>>) attributes {dimension_semantics = [#tpu.dimension_semantics<arbitrary>, #tpu.dimension_semantics<arbitrary>], iteration_bounds = array<i64: 1, 4>, scalar_prefetch = 0 : i64, scratch_operands = 0 : i64, tpu.core_type = #tpu.core_type<tc>, window_params = [{transform_indices = @transform_0, window_bounds = array<i64: 128, 1024>}, {transform_indices = @transform_1, window_bounds = array<i64: 1024, 512>}, {transform_indices = @transform_2, window_bounds = array<i64: 1, 512>}, {transform_indices = @transform_3, window_bounds = array<i64: 128, 512>}]} {
    %get3A = arith.constant 0 : index
    %get3A_0 = arith.constant 0 : index
    %get3A_1 = vector.load %arg2[%get3A, %get3A_0] : memref<128x1024xf32, #tpu.memory_space<vmem>>, vector<128x1024xf32>
    %get3A_2 = arith.constant 0 : index
    %get3A_3 = arith.constant 0 : index
    %get3A_4 = vector.load %arg3[%get3A_2, %get3A_3] : memref<1024x512xf32, #tpu.memory_space<vmem>>, vector<1024x512xf32>
    %dot_general3A = arith.constant dense<0.000000e+00> : vector<128x512xf32>
    %dot_general3A_5 = tpu.matmul %get3A_1, %get3A_4, %dot_general3A {dimension_numbers = #tpu.dot_dimension_numbers<[1], [0], [0], [1], [0, 0, 1, 1], [], []>, transpose_lhs_hint = false} : vector<128x1024xf32>, vector<1024x512xf32>, vector<128x512xf32> -> vector<128x512xf32>
    %get3A_6 = arith.constant 0 : index
    %get3A_7 = arith.constant 0 : index
    %get3A_8 = vector.load %arg4[%get3A_6, %get3A_7] : memref<1x512xf32, #tpu.memory_space<vmem>>, vector<1x512xf32>
    %add3A = vector.broadcast %get3A_8 : vector<1x512xf32> to vector<128x512xf32>
    %add3A_9 = arith.addf %dot_general3A_5, %add3A : vector<128x512xf32>
    %swap3A = arith.constant 0 : index
    %swap3A_10 = arith.constant 0 : index
    %swap3A_11 = vector.load %arg5[%swap3A, %swap3A_10] : memref<128x512xf32, #tpu.memory_space<vmem>>, vector<128x512xf32>
    tpu.vector_store %arg5[%swap3A, %swap3A_10], %add3A_9 {strides = array<i32>} : memref<128x512xf32, #tpu.memory_space<vmem>>, vector<128x512xf32>,
    return
  }
  func.func @transform_0(%arg0: i32, %arg1: i32) -> (i32, i32) {
    %c0_i32 = arith.constant 0 : i32
    %c0_i32_0 = arith.constant 0 : i32
    return %arg0, %c0_i32 : i32, i32
  }
  func.func @transform_1(%arg0: i32, %arg1: i32) -> (i32, i32) {
    %c0_i32 = arith.constant 0 : i32
    %c0_i32_0 = arith.constant 0 : i32
    return %c0_i32, %arg1 : i32, i32
  }
  func.func @transform_2(%arg0: i32, %arg1: i32) -> (i32, i32) {
    %c0_i32 = arith.constant 0 : i32
    %c0_i32_0 = arith.constant 0 : i32
    return %c0_i32, %arg1 : i32, i32
  }
  func.func @transform_3(%arg0: i32, %arg1: i32) -> (i32, i32) {
    %c0_i32 = arith.constant 0 : i32
    return %arg0, %arg1 : i32, i32
  }
}

module attributes {stable_mosaic.version = 14 : i64} {
  func.func @kfn(%arg0: i32, %arg1: i32, %arg2: memref<256x1024xf32, #tpu.memory_space<vmem>>, %arg3: memref<1024x512xf32, #tpu.memory_space<vmem>>, %arg4: memref<1x512xf32, #tpu.memory_space<vmem>>, %arg5: memref<256x512xf32, #tpu.memory_space<vmem>>) attributes {dimension_semantics = [#tpu.dimension_semantics<arbitrary>, #tpu.dimension_semantics<arbitrary>], iteration_bounds = array<i64: 8, 2>, scalar_prefetch = 0 : i64, scratch_operands = 0 : i64, tpu.core_type = #tpu.core_type<tc>, window_params = [{transform_indices = @transform_0, window_bounds = array<i64: 256, 1024>}, {transform_indices = @transform_1, window_bounds = array<i64: 1024, 512>}, {transform_indices = @transform_2, window_bounds = array<i64: 1, 512>}, {transform_indices = @transform_3, window_bounds = array<i64: 256, 512>}]} {
    %get3A = arith.constant 0 : index
    %get3A_0 = arith.constant 0 : index
    %get3A_1 = vector.load %arg2[%get3A, %get3A_0] : memref<256x1024xf32, #tpu.memory_space<vmem>>, vector<256x1024xf32>
    %get3A_2 = arith.constant 0 : index
    %get3A_3 = arith.constant 0 : index
    %get3A_4 = vector.load %arg3[%get3A_2, %get3A_3] : memref<1024x512xf32, #tpu.memory_space<vmem>>, vector<1024x512xf32>
    %dot_general3A = arith.constant dense<0.000000e+00> : vector<256x512xf32>
    %dot_general3A_5 = tpu.matmul %get3A_1, %get3A_4, %dot_general3A {dimension_numbers = #tpu.dot_dimension_numbers<[1], [0], [0], [1], [0, 0, 1, 1], [], []>, transpose_lhs_hint = false} : vector<256x1024xf32>, vector<1024x512xf32>, vector<256x512xf32> -> vector<256x512xf32>
    %get3A_6 = arith.constant 0 : index
    %get3A_7 = arith.constant 0 : index
    %get3A_8 = vector.load %arg4[%get3A_6, %get3A_7] : memref<1x512xf32, #tpu.memory_space<vmem>>, vector<1x512xf32>
    %add3A = vector.broadcast %get3A_8 : vector<1x512xf32> to vector<256x512xf32>
    %add3A_9 = arith.addf %dot_general3A_5, %add3A : vector<256x512xf32>
    %swap3A = arith.constant 0 : index
    %swap3A_10 = arith.constant 0 : index
    %swap3A_11 = vector.load %arg5[%swap3A, %swap3A_10] : memref<256x512xf32, #tpu.memory_space<vmem>>, vector<256x512xf32>
    tpu.vector_store %arg5[%swap3A, %swap3A_10], %add3A_9 {strides = array<i32>} : memref<256x512xf32, #tpu.memory_space<vmem>>, vector<256x512xf32>,
    return
  }
  func.func @transform_0(%arg0: i32, %arg1: i32) -> (i32, i32) {
    %c0_i32 = arith.constant 0 : i32
    %c0_i32_0 = arith.constant 0 : i32
    return %arg0, %c0_i32 : i32, i32
  }
  func.func @transform_1(%arg0: i32, %arg1: i32) -> (i32, i32) {
    %c0_i32 = arith.constant 0 : i32
    %c0_i32_0 = arith.constant 0 : i32
    return %c0_i32, %arg1 : i32, i32
  }
  func.func @transform_2(%arg0: i32, %arg1: i32) -> (i32, i32) {
    %c0_i32 = arith.constant 0 : i32
    %c0_i32_0 = arith.constant 0 : i32
    return %c0_i32, %arg1 : i32, i32
  }
  func.func @transform_3(%arg0: i32, %arg1: i32) -> (i32, i32) {
    %c0_i32 = arith.constant 0 : i32
    return %arg0, %arg1 : i32, i32
  }
}

module attributes {stable_mosaic.version = 14 : i64} {
  func.func @kfn(%arg0: i32, %arg1: i32, %arg2: memref<256x1024xf32, #tpu.memory_space<vmem>>, %arg3: memref<1024x384xf32, #tpu.memory_space<vmem>>, %arg4: memref<256x384xf32, #tpu.memory_space<vmem>>) attributes {dimension_semantics = [#tpu.dimension_semantics<arbitrary>, #tpu.dimension_semantics<arbitrary>], iteration_bounds = array<i64: 8, 1>, scalar_prefetch = 0 : i64, scratch_operands = 0 : i64, tpu.core_type = #tpu.core_type<tc>, window_params = [{transform_indices = @transform_0, window_bounds = array<i64: 256, 1024>}, {transform_indices = @transform_1, window_bounds = array<i64: 1024, 384>}, {transform_indices = @transform_2, window_bounds = array<i64: 256, 384>}]} {
    %get3A = arith.constant 0 : index
    %get3A_0 = arith.constant 0 : index
    %get3A_1 = vector.load %arg2[%get3A, %get3A_0] : memref<256x1024xf32, #tpu.memory_space<vmem>>, vector<256x1024xf32>
    %get3A_2 = arith.constant 0 : index
    %get3A_3 = arith.constant 0 : index
    %get3A_4 = vector.load %arg3[%get3A_2, %get3A_3] : memref<1024x384xf32, #tpu.memory_space<vmem>>, vector<1024x384xf32>
    %dot_general3A = arith.constant dense<0.000000e+00> : vector<256x384xf32>
    %dot_general3A_5 = tpu.matmul %get3A_1, %get3A_4, %dot_general3A {dimension_numbers = #tpu.dot_dimension_numbers<[1], [0], [0], [1], [0, 0, 1, 1], [], []>, transpose_lhs_hint = false} : vector<256x1024xf32>, vector<1024x384xf32>, vector<256x384xf32> -> vector<256x384xf32>
    %swap3A = arith.constant 0 : index
    %swap3A_6 = arith.constant 0 : index
    %swap3A_7 = vector.load %arg4[%swap3A, %swap3A_6] : memref<256x384xf32, #tpu.memory_space<vmem>>, vector<256x384xf32>
    tpu.vector_store %arg4[%swap3A, %swap3A_6], %dot_general3A_5 {strides = array<i32>} : memref<256x384xf32, #tpu.memory_space<vmem>>, vector<256x384xf32>,
    return
  }
  func.func @transform_0(%arg0: i32, %arg1: i32) -> (i32, i32) {
    %c0_i32 = arith.constant 0 : i32
    %c0_i32_0 = arith.constant 0 : i32
    return %arg0, %c0_i32 : i32, i32
  }
  func.func @transform_1(%arg0: i32, %arg1: i32) -> (i32, i32) {
    %c0_i32 = arith.constant 0 : i32
    %c0_i32_0 = arith.constant 0 : i32
    return %c0_i32, %arg1 : i32, i32
  }
  func.func @transform_2(%arg0: i32, %arg1: i32) -> (i32, i32) {
    %c0_i32 = arith.constant 0 : i32
    return %arg0, %arg1 : i32, i32
  }
}

module attributes {stable_mosaic.version = 14 : i64} {
  func.func @kfn(%arg0: i32, %arg1: i32, %arg2: memref<256x384xf32, #tpu.memory_space<vmem>>, %arg3: memref<384x512xf32, #tpu.memory_space<vmem>>, %arg4: memref<256x512xf32, #tpu.memory_space<vmem>>, %arg5: memref<256x512xf32, #tpu.memory_space<vmem>>) attributes {dimension_semantics = [#tpu.dimension_semantics<arbitrary>, #tpu.dimension_semantics<arbitrary>], iteration_bounds = array<i64: 8, 2>, scalar_prefetch = 0 : i64, scratch_operands = 0 : i64, tpu.core_type = #tpu.core_type<tc>, window_params = [{transform_indices = @transform_0, window_bounds = array<i64: 256, 384>}, {transform_indices = @transform_1, window_bounds = array<i64: 384, 512>}, {transform_indices = @transform_2, window_bounds = array<i64: 256, 512>}, {transform_indices = @transform_3, window_bounds = array<i64: 256, 512>}]} {
    %get3A = arith.constant 0 : index
    %get3A_0 = arith.constant 0 : index
    %get3A_1 = vector.load %arg2[%get3A, %get3A_0] : memref<256x384xf32, #tpu.memory_space<vmem>>, vector<256x384xf32>
    %get3A_2 = arith.constant 0 : index
    %get3A_3 = arith.constant 0 : index
    %get3A_4 = vector.load %arg3[%get3A_2, %get3A_3] : memref<384x512xf32, #tpu.memory_space<vmem>>, vector<384x512xf32>
    %dot_general3A = arith.constant dense<0.000000e+00> : vector<256x512xf32>
    %dot_general3A_5 = tpu.matmul %get3A_1, %get3A_4, %dot_general3A {dimension_numbers = #tpu.dot_dimension_numbers<[1], [0], [0], [1], [0, 0, 1, 1], [], []>, transpose_lhs_hint = false} : vector<256x384xf32>, vector<384x512xf32>, vector<256x512xf32> -> vector<256x512xf32>
    %get3A_6 = arith.constant 0 : index
    %get3A_7 = arith.constant 0 : index
    %get3A_8 = vector.load %arg4[%get3A_6, %get3A_7] : memref<256x512xf32, #tpu.memory_space<vmem>>, vector<256x512xf32>
    %add3A = arith.addf %dot_general3A_5, %get3A_8 : vector<256x512xf32>
    %swap3A = arith.constant 0 : index
    %swap3A_9 = arith.constant 0 : index
    %swap3A_10 = vector.load %arg5[%swap3A, %swap3A_9] : memref<256x512xf32, #tpu.memory_space<vmem>>, vector<256x512xf32>
    tpu.vector_store %arg5[%swap3A, %swap3A_9], %add3A {strides = array<i32>} : memref<256x512xf32, #tpu.memory_space<vmem>>, vector<256x512xf32>,
    return
  }
  func.func @transform_0(%arg0: i32, %arg1: i32) -> (i32, i32) {
    %c0_i32 = arith.constant 0 : i32
    %c0_i32_0 = arith.constant 0 : i32
    return %arg0, %c0_i32 : i32, i32
  }
  func.func @transform_1(%arg0: i32, %arg1: i32) -> (i32, i32) {
    %c0_i32 = arith.constant 0 : i32
    %c0_i32_0 = arith.constant 0 : i32
    return %c0_i32, %arg1 : i32, i32
  }
  func.func @transform_2(%arg0: i32, %arg1: i32) -> (i32, i32) {
    %c0_i32 = arith.constant 0 : i32
    return %arg0, %arg1 : i32, i32
  }
  func.func @transform_3(%arg0: i32, %arg1: i32) -> (i32, i32) {
    %c0_i32 = arith.constant 0 : i32
    return %arg0, %arg1 : i32, i32
  }
}

module attributes {stable_mosaic.version = 14 : i64} {
  func.func @kfn(%arg0: i32, %arg1: i32, %arg2: memref<256x1024xf32, #tpu.memory_space<vmem>>, %arg3: memref<1024x512xf32, #tpu.memory_space<vmem>>, %arg4: memref<1x512xf32, #tpu.memory_space<vmem>>, %arg5: memref<256x512xf32, #tpu.memory_space<vmem>>, %arg6: memref<256x512xf32, #tpu.memory_space<vmem>>) attributes {dimension_semantics = [#tpu.dimension_semantics<arbitrary>, #tpu.dimension_semantics<arbitrary>], iteration_bounds = array<i64: 8, 2>, scalar_prefetch = 0 : i64, scratch_operands = 0 : i64, tpu.core_type = #tpu.core_type<tc>, window_params = [{transform_indices = @transform_0, window_bounds = array<i64: 256, 1024>}, {transform_indices = @transform_1, window_bounds = array<i64: 1024, 512>}, {transform_indices = @transform_2, window_bounds = array<i64: 1, 512>}, {transform_indices = @transform_3, window_bounds = array<i64: 256, 512>}, {transform_indices = @transform_4, window_bounds = array<i64: 256, 512>}]} {
    %get3A = arith.constant 0 : index
    %get3A_0 = arith.constant 0 : index
    %get3A_1 = vector.load %arg2[%get3A, %get3A_0] : memref<256x1024xf32, #tpu.memory_space<vmem>>, vector<256x1024xf32>
    %get3A_2 = arith.constant 0 : index
    %get3A_3 = arith.constant 0 : index
    %get3A_4 = vector.load %arg3[%get3A_2, %get3A_3] : memref<1024x512xf32, #tpu.memory_space<vmem>>, vector<1024x512xf32>
    %dot_general3A = arith.constant dense<0.000000e+00> : vector<256x512xf32>
    %dot_general3A_5 = tpu.matmul %get3A_1, %get3A_4, %dot_general3A {dimension_numbers = #tpu.dot_dimension_numbers<[1], [0], [0], [1], [0, 0, 1, 1], [], []>, transpose_lhs_hint = false} : vector<256x1024xf32>, vector<1024x512xf32>, vector<256x512xf32> -> vector<256x512xf32>
    %get3A_6 = arith.constant 0 : index
    %get3A_7 = arith.constant 0 : index
    %get3A_8 = vector.load %arg4[%get3A_6, %get3A_7] : memref<1x512xf32, #tpu.memory_space<vmem>>, vector<1x512xf32>
    %add3A = vector.broadcast %get3A_8 : vector<1x512xf32> to vector<256x512xf32>
    %add3A_9 = arith.addf %dot_general3A_5, %add3A : vector<256x512xf32>
    %get3A_10 = arith.constant 0 : index
    %get3A_11 = arith.constant 0 : index
    %get3A_12 = vector.load %arg5[%get3A_10, %get3A_11] : memref<256x512xf32, #tpu.memory_space<vmem>>, vector<256x512xf32>
    %add3A_13 = arith.addf %add3A_9, %get3A_12 : vector<256x512xf32>
    %swap3A = arith.constant 0 : index
    %swap3A_14 = arith.constant 0 : index
    %swap3A_15 = vector.load %arg6[%swap3A, %swap3A_14] : memref<256x512xf32, #tpu.memory_space<vmem>>, vector<256x512xf32>
    tpu.vector_store %arg6[%swap3A, %swap3A_14], %add3A_13 {strides = array<i32>} : memref<256x512xf32, #tpu.memory_space<vmem>>, vector<256x512xf32>,
    return
  }
  func.func @transform_0(%arg0: i32, %arg1: i32) -> (i32, i32) {
    %c0_i32 = arith.constant 0 : i32
    %c0_i32_0 = arith.constant 0 : i32
    return %arg0, %c0_i32 : i32, i32
  }
  func.func @transform_1(%arg0: i32, %arg1: i32) -> (i32, i32) {
    %c0_i32 = arith.constant 0 : i32
    %c0_i32_0 = arith.constant 0 : i32
    return %c0_i32, %arg1 : i32, i32
  }
  func.func @transform_2(%arg0: i32, %arg1: i32) -> (i32, i32) {
    %c0_i32 = arith.constant 0 : i32
    %c0_i32_0 = arith.constant 0 : i32
    return %c0_i32, %arg1 : i32, i32
  }
  func.func @transform_3(%arg0: i32, %arg1: i32) -> (i32, i32) {
    %c0_i32 = arith.constant 0 : i32
    return %arg0, %arg1 : i32, i32
  }
  func.func @transform_4(%arg0: i32, %arg1: i32) -> (i32, i32) {
    %c0_i32 = arith.constant 0 : i32
    return %arg0, %arg1 : i32, i32
  }
}

module attributes {stable_mosaic.version = 14 : i64} {
  func.func @kfn(%arg0: i32, %arg1: i32, %arg2: memref<256x1024xf32, #tpu.memory_space<vmem>>, %arg3: memref<1024x512xf32, #tpu.memory_space<vmem>>, %arg4: memref<1x512xf32, #tpu.memory_space<vmem>>, %arg5: memref<256x512xf32, #tpu.memory_space<vmem>>) attributes {dimension_semantics = [#tpu.dimension_semantics<arbitrary>, #tpu.dimension_semantics<arbitrary>], iteration_bounds = array<i64: 8, 8>, scalar_prefetch = 0 : i64, scratch_operands = 0 : i64, tpu.core_type = #tpu.core_type<tc>, window_params = [{transform_indices = @transform_0, window_bounds = array<i64: 256, 1024>}, {transform_indices = @transform_1, window_bounds = array<i64: 1024, 512>}, {transform_indices = @transform_2, window_bounds = array<i64: 1, 512>}, {transform_indices = @transform_3, window_bounds = array<i64: 256, 512>}]} {
    %get3A = arith.constant 0 : index
    %get3A_0 = arith.constant 0 : index
    %get3A_1 = vector.load %arg2[%get3A, %get3A_0] : memref<256x1024xf32, #tpu.memory_space<vmem>>, vector<256x1024xf32>
    %get3A_2 = arith.constant 0 : index
    %get3A_3 = arith.constant 0 : index
    %get3A_4 = vector.load %arg3[%get3A_2, %get3A_3] : memref<1024x512xf32, #tpu.memory_space<vmem>>, vector<1024x512xf32>
    %dot_general3A = arith.constant dense<0.000000e+00> : vector<256x512xf32>
    %dot_general3A_5 = tpu.matmul %get3A_1, %get3A_4, %dot_general3A {dimension_numbers = #tpu.dot_dimension_numbers<[1], [0], [0], [1], [0, 0, 1, 1], [], []>, transpose_lhs_hint = false} : vector<256x1024xf32>, vector<1024x512xf32>, vector<256x512xf32> -> vector<256x512xf32>
    %get3A_6 = arith.constant 0 : index
    %get3A_7 = arith.constant 0 : index
    %get3A_8 = vector.load %arg4[%get3A_6, %get3A_7] : memref<1x512xf32, #tpu.memory_space<vmem>>, vector<1x512xf32>
    %add3A = vector.broadcast %get3A_8 : vector<1x512xf32> to vector<256x512xf32>
    %add3A_9 = arith.addf %dot_general3A_5, %add3A : vector<256x512xf32>
    %max3A = arith.constant 0.000000e+00 : f32
    %max3A_10 = vector.broadcast %max3A : f32 to vector<256x512xf32>
    %max3A_11 = arith.maximumf %add3A_9, %max3A_10 : vector<256x512xf32>
    %swap3A = arith.constant 0 : index
    %swap3A_12 = arith.constant 0 : index
    %swap3A_13 = vector.load %arg5[%swap3A, %swap3A_12] : memref<256x512xf32, #tpu.memory_space<vmem>>, vector<256x512xf32>
    tpu.vector_store %arg5[%swap3A, %swap3A_12], %max3A_11 {strides = array<i32>} : memref<256x512xf32, #tpu.memory_space<vmem>>, vector<256x512xf32>,
    return
  }
  func.func @transform_0(%arg0: i32, %arg1: i32) -> (i32, i32) {
    %c0_i32 = arith.constant 0 : i32
    %c0_i32_0 = arith.constant 0 : i32
    return %arg0, %c0_i32 : i32, i32
  }
  func.func @transform_1(%arg0: i32, %arg1: i32) -> (i32, i32) {
    %c0_i32 = arith.constant 0 : i32
    %c0_i32_0 = arith.constant 0 : i32
    return %c0_i32, %arg1 : i32, i32
  }
  func.func @transform_2(%arg0: i32, %arg1: i32) -> (i32, i32) {
    %c0_i32 = arith.constant 0 : i32
    %c0_i32_0 = arith.constant 0 : i32
    return %c0_i32, %arg1 : i32, i32
  }
  func.func @transform_3(%arg0: i32, %arg1: i32) -> (i32, i32) {
    %c0_i32 = arith.constant 0 : i32
    return %arg0, %arg1 : i32, i32
  }
}

module attributes {stable_mosaic.version = 14 : i64} {
  func.func @kfn(%arg0: i32, %arg1: i32, %arg2: memref<256x4096xf32, #tpu.memory_space<vmem>>, %arg3: memref<4096x128xf32, #tpu.memory_space<vmem>>, %arg4: memref<1x128xf32, #tpu.memory_space<vmem>>, %arg5: memref<256x128xf32, #tpu.memory_space<vmem>>) attributes {dimension_semantics = [#tpu.dimension_semantics<arbitrary>, #tpu.dimension_semantics<arbitrary>], iteration_bounds = array<i64: 8, 1>, scalar_prefetch = 0 : i64, scratch_operands = 0 : i64, tpu.core_type = #tpu.core_type<tc>, window_params = [{transform_indices = @transform_0, window_bounds = array<i64: 256, 4096>}, {transform_indices = @transform_1, window_bounds = array<i64: 4096, 128>}, {transform_indices = @transform_2, window_bounds = array<i64: 1, 128>}, {transform_indices = @transform_3, window_bounds = array<i64: 256, 128>}]} {
    %get3A = arith.constant 0 : index
    %get3A_0 = arith.constant 0 : index
    %get3A_1 = vector.load %arg2[%get3A, %get3A_0] : memref<256x4096xf32, #tpu.memory_space<vmem>>, vector<256x4096xf32>
    %get3A_2 = arith.constant 0 : index
    %get3A_3 = arith.constant 0 : index
    %get3A_4 = vector.load %arg3[%get3A_2, %get3A_3] : memref<4096x128xf32, #tpu.memory_space<vmem>>, vector<4096x128xf32>
    %dot_general3A = arith.constant dense<0.000000e+00> : vector<256x128xf32>
    %dot_general3A_5 = tpu.matmul %get3A_1, %get3A_4, %dot_general3A {dimension_numbers = #tpu.dot_dimension_numbers<[1], [0], [0], [1], [0, 0, 1, 1], [], []>, transpose_lhs_hint = false} : vector<256x4096xf32>, vector<4096x128xf32>, vector<256x128xf32> -> vector<256x128xf32>
    %get3A_6 = arith.constant 0 : index
    %get3A_7 = arith.constant 0 : index
    %get3A_8 = vector.load %arg4[%get3A_6, %get3A_7] : memref<1x128xf32, #tpu.memory_space<vmem>>, vector<1x128xf32>
    %add3A = vector.broadcast %get3A_8 : vector<1x128xf32> to vector<256x128xf32>
    %add3A_9 = arith.addf %dot_general3A_5, %add3A : vector<256x128xf32>
    %swap3A = arith.constant 0 : index
    %swap3A_10 = arith.constant 0 : index
    %swap3A_11 = vector.load %arg5[%swap3A, %swap3A_10] : memref<256x128xf32, #tpu.memory_space<vmem>>, vector<256x128xf32>
    tpu.vector_store %arg5[%swap3A, %swap3A_10], %add3A_9 {strides = array<i32>} : memref<256x128xf32, #tpu.memory_space<vmem>>, vector<256x128xf32>,
    return
  }
  func.func @transform_0(%arg0: i32, %arg1: i32) -> (i32, i32) {
    %c0_i32 = arith.constant 0 : i32
    %c0_i32_0 = arith.constant 0 : i32
    return %arg0, %c0_i32 : i32, i32
  }
  func.func @transform_1(%arg0: i32, %arg1: i32) -> (i32, i32) {
    %c0_i32 = arith.constant 0 : i32
    %c0_i32_0 = arith.constant 0 : i32
    return %c0_i32, %arg1 : i32, i32
  }
  func.func @transform_2(%arg0: i32, %arg1: i32) -> (i32, i32) {
    %c0_i32 = arith.constant 0 : i32
    %c0_i32_0 = arith.constant 0 : i32
    return %c0_i32, %arg1 : i32, i32
  }
  func.func @transform_3(%arg0: i32, %arg1: i32) -> (i32, i32) {
    %c0_i32 = arith.constant 0 : i32
    return %arg0, %arg1 : i32, i32
  }
}

module attributes {stable_mosaic.version = 14 : i64} {
  func.func @_imp_kernel(%arg0: memref<2048x128xf32, #tpu.memory_space<vmem>>, %arg1: memref<1x1xf32, #tpu.memory_space<vmem>>) attributes {dimension_semantics = [], scalar_prefetch = 0 : i64, scratch_operands = 0 : i64, tpu.core_type = #tpu.core_type<tc>} {
    %get3A = arith.constant 0 : index
    %get3A_0 = arith.constant 0 : index
    %get3A_1 = vector.load %arg0[%get3A, %get3A_0] : memref<2048x128xf32, #tpu.memory_space<vmem>>, vector<2048x128xf32>
    %iota3A = tpu.iota {dimensions = array<i32: 1>} : vector<2048x128xi32>
    %lt3A = arith.constant 8 : i32
    %lt3A_2 = vector.broadcast %lt3A : i32 to vector<2048x128xi32>
    %lt3A_3 = arith.cmpi slt, %iota3A, %lt3A_2 : vector<2048x128xi32>
    %jit3A = arith.constant -1.000000e+30 : f32
    %broadcast_in_dim3A = vector.broadcast %jit3A : f32 to vector<2048x128xf32>
    %select_n3A = arith.select %lt3A_3, %get3A_1, %broadcast_in_dim3A : vector<2048x128xi1>, vector<2048x128xf32>
    %reduce_max3A = arith.constant dense<0xFF800000> : vector<2048xf32>
    %reduce_max3A_4 = vector.multi_reduction <maximumf>, %select_n3A, %reduce_max3A [1] : vector<2048x128xf32> to vector<2048xf32>
    %broadcast_in_dim3A_5 = vector.shape_cast %reduce_max3A_4 : vector<2048xf32> to vector<2048x1xf32>
    %sub3A = vector.broadcast %broadcast_in_dim3A_5 : vector<2048x1xf32> to vector<2048x128xf32>
    %sub3A_6 = arith.subf %get3A_1, %sub3A : vector<2048x128xf32>
    %exp3A = math.exp %sub3A_6 : vector<2048x128xf32>
    %jit3A_7 = arith.constant 0.000000e+00 : f32
    %broadcast_in_dim3A_8 = vector.broadcast %jit3A_7 : f32 to vector<2048x128xf32>
    %select_n3A_9 = arith.select %lt3A_3, %exp3A, %broadcast_in_dim3A_8 : vector<2048x128xi1>, vector<2048x128xf32>
    %reduce_sum3A = arith.constant dense<0.000000e+00> : vector<2048xf32>
    %reduce_sum3A_10 = vector.multi_reduction <add>, %select_n3A_9, %reduce_sum3A [1] : vector<2048x128xf32> to vector<2048xf32>
    %broadcast_in_dim3A_11 = vector.shape_cast %reduce_sum3A_10 : vector<2048xf32> to vector<2048x1xf32>
    %div3A = vector.broadcast %broadcast_in_dim3A_11 : vector<2048x1xf32> to vector<2048x128xf32>
    %div3A_12 = arith.divf %select_n3A_9, %div3A : vector<2048x128xf32>
    %reduce_sum3A_13 = arith.constant dense<0.000000e+00> : vector<128xf32>
    %reduce_sum3A_14 = vector.multi_reduction <add>, %div3A_12, %reduce_sum3A_13 [0] : vector<2048x128xf32> to vector<128xf32>
    %broadcast_in_dim3A_15 = vector.shape_cast %reduce_sum3A_14 : vector<128xf32> to vector<1x128xf32>
    %reduce_sum3A_16 = arith.constant dense<0.000000e+00> : vector<1xf32>
    %reduce_sum3A_17 = vector.multi_reduction <add>, %broadcast_in_dim3A_15, %reduce_sum3A_16 [1] : vector<1x128xf32> to vector<1xf32>
    %broadcast_in_dim3A_18 = vector.shape_cast %reduce_sum3A_17 : vector<1xf32> to vector<1x1xf32>
    %div3A_19 = arith.constant 8.000000e+00 : f32
    %div3A_20 = vector.broadcast %div3A_19 : f32 to vector<1x1xf32>
    %div3A_21 = arith.divf %broadcast_in_dim3A_18, %div3A_20 : vector<1x1xf32>
    %slice3A = vector.extract_strided_slice %lt3A_3 {offsets = [0, 0], sizes = [1, 128], strides = [1, 1]} : vector<2048x128xi1> to vector<1x128xi1>
    %sub3A_22 = vector.broadcast %div3A_21 : vector<1x1xf32> to vector<1x128xf32>
    %sub3A_23 = arith.subf %broadcast_in_dim3A_15, %sub3A_22 : vector<1x128xf32>
    %jit3A_24 = arith.constant 0.000000e+00 : f32
    %broadcast_in_dim3A_25 = vector.broadcast %jit3A_24 : f32 to vector<1x128xf32>
    %select_n3A_26 = arith.select %slice3A, %sub3A_23, %broadcast_in_dim3A_25 : vector<1x128xi1>, vector<1x128xf32>
    %mul3A = arith.mulf %select_n3A_26, %select_n3A_26 : vector<1x128xf32>
    %reduce_sum3A_27 = arith.constant dense<0.000000e+00> : vector<1xf32>
    %reduce_sum3A_28 = vector.multi_reduction <add>, %mul3A, %reduce_sum3A_27 [1] : vector<1x128xf32> to vector<1xf32>
    %broadcast_in_dim3A_29 = vector.shape_cast %reduce_sum3A_28 : vector<1xf32> to vector<1x1xf32>
    %div3A_30 = arith.constant 7.000000e+00 : f32
    %div3A_31 = vector.broadcast %div3A_30 : f32 to vector<1x1xf32>
    %div3A_32 = arith.divf %broadcast_in_dim3A_29, %div3A_31 : vector<1x1xf32>
    %mul3A_33 = arith.mulf %div3A_21, %div3A_21 : vector<1x1xf32>
    %add3A = arith.constant 9.99999997E-7 : f32
    %add3A_34 = vector.broadcast %add3A : f32 to vector<1x1xf32>
    %add3A_35 = arith.addf %mul3A_33, %add3A_34 : vector<1x1xf32>
    %div3A_36 = arith.divf %div3A_32, %add3A_35 : vector<1x1xf32>
    %swap3A = arith.constant 0 : index
    %swap3A_37 = arith.constant 0 : index
    %swap3A_38 = vector.load %arg1[%swap3A, %swap3A_37] : memref<1x1xf32, #tpu.memory_space<vmem>>, vector<1x1xf32>
    tpu.vector_store %arg1[%swap3A, %swap3A_37], %div3A_36 {strides = array<i32>} : memref<1x1xf32, #tpu.memory_space<vmem>>, vector<1x1xf32>,
    return
  }
}

module attributes {stable_mosaic.version = 14 : i64} {
  func.func @_rec_kernel(%arg0: memref<128x1024xf32, #tpu.memory_space<vmem>>, %arg1: memref<128x1024xf32, #tpu.memory_space<vmem>>, %arg2: memref<1x1024xf32, #tpu.memory_space<vmem>>, %arg3: memref<1024x1024xf32, #tpu.memory_space<vmem>>, %arg4: memref<1x1024xf32, #tpu.memory_space<vmem>>, %arg5: memref<256x128xf32, #tpu.memory_space<vmem>>, %arg6: memref<256x1024xf32, #tpu.memory_space<vmem>>, %arg7: memref<1x1xf32, #tpu.memory_space<vmem>>) attributes {dimension_semantics = [], scalar_prefetch = 0 : i64, scratch_operands = 0 : i64, tpu.core_type = #tpu.core_type<tc>} {
    %get3A = arith.constant 0 : index
    %get3A_0 = arith.constant 0 : index
    %get3A_1 = vector.load %arg0[%get3A, %get3A_0] : memref<128x1024xf32, #tpu.memory_space<vmem>>, vector<128x1024xf32>
    %get3A_2 = arith.constant 0 : index
    %get3A_3 = arith.constant 0 : index
    %get3A_4 = vector.load %arg1[%get3A_2, %get3A_3] : memref<128x1024xf32, #tpu.memory_space<vmem>>, vector<128x1024xf32>
    %get3A_5 = arith.constant 0 : index
    %get3A_6 = arith.constant 0 : index
    %get3A_7 = vector.load %arg2[%get3A_5, %get3A_6] : memref<1x1024xf32, #tpu.memory_space<vmem>>, vector<1x1024xf32>
    %mul3A = vector.broadcast %get3A_7 : vector<1x1024xf32> to vector<128x1024xf32>
    %mul3A_8 = arith.mulf %get3A_1, %mul3A : vector<128x1024xf32>
    %reduce_sum3A = arith.constant dense<0.000000e+00> : vector<128xf32>
    %reduce_sum3A_9 = vector.multi_reduction <add>, %mul3A_8, %reduce_sum3A [1] : vector<128x1024xf32> to vector<128xf32>
    %broadcast_in_dim3A = vector.shape_cast %reduce_sum3A_9 : vector<128xf32> to vector<128x1xf32>
    %mul3A_10 = arith.constant 3.125000e-02 : f32
    %mul3A_11 = vector.broadcast %mul3A_10 : f32 to vector<128x1xf32>
    %mul3A_12 = arith.mulf %broadcast_in_dim3A, %mul3A_11 : vector<128x1xf32>
    %mul3A_13 = vector.broadcast %get3A_7 : vector<1x1024xf32> to vector<128x1024xf32>
    %mul3A_14 = arith.mulf %get3A_4, %mul3A_13 : vector<128x1024xf32>
    %reduce_sum3A_15 = arith.constant dense<0.000000e+00> : vector<128xf32>
    %reduce_sum3A_16 = vector.multi_reduction <add>, %mul3A_14, %reduce_sum3A_15 [1] : vector<128x1024xf32> to vector<128xf32>
    %broadcast_in_dim3A_17 = vector.shape_cast %reduce_sum3A_16 : vector<128xf32> to vector<128x1xf32>
    %mul3A_18 = arith.constant 3.125000e-02 : f32
    %mul3A_19 = vector.broadcast %mul3A_18 : f32 to vector<128x1xf32>
    %mul3A_20 = arith.mulf %broadcast_in_dim3A_17, %mul3A_19 : vector<128x1xf32>
    %max3A = arith.maximumf %mul3A_12, %mul3A_20 : vector<128x1xf32>
    %sub3A = arith.subf %mul3A_12, %max3A : vector<128x1xf32>
    %exp3A = math.exp %sub3A : vector<128x1xf32>
    %sub3A_21 = arith.subf %mul3A_20, %max3A : vector<128x1xf32>
    %exp3A_22 = math.exp %sub3A_21 : vector<128x1xf32>
    %mul3A_23 = vector.broadcast %exp3A : vector<128x1xf32> to vector<128x1024xf32>
    %mul3A_24 = arith.mulf %mul3A_23, %get3A_1 : vector<128x1024xf32>
    %mul3A_25 = vector.broadcast %exp3A_22 : vector<128x1xf32> to vector<128x1024xf32>
    %mul3A_26 = arith.mulf %mul3A_25, %get3A_4 : vector<128x1024xf32>
    %add3A = arith.addf %mul3A_24, %mul3A_26 : vector<128x1024xf32>
    %add3A_27 = arith.addf %exp3A, %exp3A_22 : vector<128x1xf32>
    %div3A = vector.broadcast %add3A_27 : vector<128x1xf32> to vector<128x1024xf32>
    %div3A_28 = arith.divf %add3A, %div3A : vector<128x1024xf32>
    %get3A_29 = arith.constant 0 : index
    %get3A_30 = arith.constant 0 : index
    %get3A_31 = vector.load %arg3[%get3A_29, %get3A_30] : memref<1024x1024xf32, #tpu.memory_space<vmem>>, vector<1024x1024xf32>
    %dot_general3A = arith.constant dense<0.000000e+00> : vector<128x1024xf32>
    %dot_general3A_32 = tpu.matmul %div3A_28, %get3A_31, %dot_general3A {dimension_numbers = #tpu.dot_dimension_numbers<[1], [0], [0], [1], [0, 0, 1, 1], [], []>, transpose_lhs_hint = false} : vector<128x1024xf32>, vector<1024x1024xf32>, vector<128x1024xf32> -> vector<128x1024xf32>
    %get3A_33 = arith.constant 0 : index
    %get3A_34 = arith.constant 0 : index
    %get3A_35 = vector.load %arg4[%get3A_33, %get3A_34] : memref<1x1024xf32, #tpu.memory_space<vmem>>, vector<1x1024xf32>
    %add3A_36 = vector.broadcast %get3A_35 : vector<1x1024xf32> to vector<128x1024xf32>
    %add3A_37 = arith.addf %dot_general3A_32, %add3A_36 : vector<128x1024xf32>
    %get3A_38 = arith.constant 0 : index
    %get3A_39 = arith.constant 0 : index
    %get3A_40 = vector.load %arg5[%get3A_38, %get3A_39] : memref<256x128xf32, #tpu.memory_space<vmem>>, vector<256x128xf32>
    %dot_general3A_41 = arith.constant dense<0.000000e+00> : vector<256x1024xf32>
    %dot_general3A_42 = tpu.matmul %get3A_40, %add3A_37, %dot_general3A_41 {dimension_numbers = #tpu.dot_dimension_numbers<[1], [0], [0], [1], [0, 0, 1, 1], [], []>, transpose_lhs_hint = false} : vector<256x128xf32>, vector<128x1024xf32>, vector<256x1024xf32> -> vector<256x1024xf32>
    %get3A_43 = arith.constant 0 : index
    %get3A_44 = arith.constant 0 : index
    %get3A_45 = vector.load %arg6[%get3A_43, %get3A_44] : memref<256x1024xf32, #tpu.memory_space<vmem>>, vector<256x1024xf32>
    %sub3A_46 = arith.subf %dot_general3A_42, %get3A_45 : vector<256x1024xf32>
    %mul3A_47 = arith.mulf %sub3A_46, %sub3A_46 : vector<256x1024xf32>
    %reduce_sum3A_48 = arith.constant dense<0.000000e+00> : vector<256xf32>
    %reduce_sum3A_49 = vector.multi_reduction <add>, %mul3A_47, %reduce_sum3A_48 [1] : vector<256x1024xf32> to vector<256xf32>
    %broadcast_in_dim3A_50 = vector.shape_cast %reduce_sum3A_49 : vector<256xf32> to vector<256x1xf32>
    %reduce_sum3A_51 = arith.constant dense<0.000000e+00> : vector<1xf32>
    %reduce_sum3A_52 = vector.multi_reduction <add>, %broadcast_in_dim3A_50, %reduce_sum3A_51 [0] : vector<256x1xf32> to vector<1xf32>
    %broadcast_in_dim3A_53 = vector.shape_cast %reduce_sum3A_52 : vector<1xf32> to vector<1x1xf32>
    %mul3A_54 = arith.constant 3.81469727E-6 : f32
    %mul3A_55 = vector.broadcast %mul3A_54 : f32 to vector<1x1xf32>
    %mul3A_56 = arith.mulf %broadcast_in_dim3A_53, %mul3A_55 : vector<1x1xf32>
    %swap3A = arith.constant 0 : index
    %swap3A_57 = arith.constant 0 : index
    %swap3A_58 = vector.load %arg7[%swap3A, %swap3A_57] : memref<1x1xf32, #tpu.memory_space<vmem>>, vector<1x1xf32>
    tpu.vector_store %arg7[%swap3A, %swap3A_57], %mul3A_56 {strides = array<i32>} : memref<1x1xf32, #tpu.memory_space<vmem>>, vector<1x1xf32>,
    return
  }
}

module attributes {stable_mosaic.version = 14 : i64} {
  func.func @_expert_kernel(%arg0: i32, %arg1: i32, %arg2: memref<1x320x1024xf32, #tpu.memory_space<vmem>>, %arg3: memref<1x1x320xi32, #tpu.memory_space<vmem>>, %arg4: memref<1x1x320xf32, #tpu.memory_space<vmem>>, %arg5: memref<1x1024x512xf32, #tpu.memory_space<vmem>>, %arg6: memref<1x1x1x512xf32, #tpu.memory_space<vmem>>, %arg7: memref<1x512x1024xf32, #tpu.memory_space<vmem>>, %arg8: memref<1x1x1024xf32, #tpu.memory_space<vmem>>, %arg9: memref<2048x1024xf32, #tpu.memory_space<vmem>>, %arg10: memref<320x1024xf32, #tpu.memory_space<vmem>>) attributes {dimension_semantics = [#tpu.dimension_semantics<arbitrary>, #tpu.dimension_semantics<arbitrary>], iteration_bounds = array<i64: 8, 8>, scalar_prefetch = 0 : i64, scratch_operands = 1 : i64, tpu.core_type = #tpu.core_type<tc>, window_params = [{transform_indices = @transform_0, window_bounds = array<i64: 1, 320, 1024>}, {transform_indices = @transform_1, window_bounds = array<i64: 1, 1, 320>}, {transform_indices = @transform_2, window_bounds = array<i64: 1, 1, 320>}, {transform_indices = @transform_3, window_bounds = array<i64: 1, 1024, 512>}, {transform_indices = @transform_4, window_bounds = array<i64: 1, 1, 1, 512>}, {transform_indices = @transform_5, window_bounds = array<i64: 1, 512, 1024>}, {transform_indices = @transform_6, window_bounds = array<i64: 1, 1, 1024>}, {pipeline_mode = #tpu.pipeline_mode<synchronous>, transform_indices = @transform_7, window_bounds = array<i64: 2048, 1024>}]} {
    %eq3A = arith.constant 0 : i32
    %eq3A_0 = arith.cmpi eq, %arg0, %eq3A : i32
    %eq3A_1 = arith.constant 0 : i32
    %eq3A_2 = arith.cmpi eq, %arg1, %eq3A_1 : i32
    %and3A = arith.andi %eq3A_0, %eq3A_2 : i1
    %convert_element_type3A = arith.extui %and3A : i1 to i32
    %cond3A = arith.constant 0 : i32
    %cond3A_3 = arith.cmpi ne, %convert_element_type3A, %cond3A : i32
    scf.if %cond3A_3 {
      %broadcast_in_dim3A = arith.constant 0.000000e+00 : f32
      %broadcast_in_dim3A_53 = vector.broadcast %broadcast_in_dim3A : f32 to vector<2048x1024xf32>
      %swap3A = arith.constant 0 : index
      %swap3A_54 = arith.constant 0 : index
      %swap3A_55 = vector.load %arg9[%swap3A, %swap3A_54] : memref<2048x1024xf32, #tpu.memory_space<vmem>>, vector<2048x1024xf32>
      tpu.vector_store %arg9[%swap3A, %swap3A_54], %broadcast_in_dim3A_53 {strides = array<i32>} : memref<2048x1024xf32, #tpu.memory_space<vmem>>, vector<2048x1024xf32>,
    } else {
    }
    %iota3A = tpu.iota {dimensions = array<i32: 0>} : vector<2048x320xi32>
    %get3A = arith.constant 0 : index
    %get3A_4 = arith.constant 0 : index
    %get3A_5 = arith.constant 0 : index
    %get3A_6 = vector.load %arg3[%get3A, %get3A_4, %get3A_5] : memref<1x1x320xi32, #tpu.memory_space<vmem>>, vector<1x1x320xi32>
    %get3A_7 = vector.shape_cast %get3A_6 : vector<1x1x320xi32> to vector<1x320xi32>
    %eq3A_8 = vector.broadcast %get3A_7 : vector<1x320xi32> to vector<2048x320xi32>
    %eq3A_9 = arith.cmpi eq, %iota3A, %eq3A_8 : vector<2048x320xi32>
    %convert_element_type3A_10 = arith.extui %eq3A_9 : vector<2048x320xi1> to vector<2048x320xi32>
    %convert_element_type3A_11 = arith.sitofp %convert_element_type3A_10 : vector<2048x320xi32> to vector<2048x320xf32>
    %get3A_12 = arith.constant 0 : index
    %get3A_13 = arith.constant 0 : index
    %get3A_14 = arith.constant 0 : index
    %get3A_15 = vector.load %arg2[%get3A_12, %get3A_13, %get3A_14] : memref<1x320x1024xf32, #tpu.memory_space<vmem>>, vector<1x320x1024xf32>
    %get3A_16 = vector.shape_cast %get3A_15 : vector<1x320x1024xf32> to vector<320x1024xf32>
    %get3A_17 = arith.constant 0 : index
    %get3A_18 = arith.constant 0 : index
    %get3A_19 = arith.constant 0 : index
    %get3A_20 = vector.load %arg5[%get3A_17, %get3A_18, %get3A_19] : memref<1x1024x512xf32, #tpu.memory_space<vmem>>, vector<1x1024x512xf32>
    %get3A_21 = vector.shape_cast %get3A_20 : vector<1x1024x512xf32> to vector<1024x512xf32>
    %dot_general3A = arith.constant dense<0.000000e+00> : vector<320x512xf32>
    %dot_general3A_22 = tpu.matmul %get3A_16, %get3A_21, %dot_general3A {dimension_numbers = #tpu.dot_dimension_numbers<[1], [0], [0], [1], [0, 0, 1, 1], [], []>, transpose_lhs_hint = false} : vector<320x1024xf32>, vector<1024x512xf32>, vector<320x512xf32> -> vector<320x512xf32>
    %get3A_23 = arith.constant 0 : index
    %get3A_24 = arith.constant 0 : index
    %get3A_25 = arith.constant 0 : index
    %get3A_26 = arith.constant 0 : index
    %get3A_27 = vector.load %arg6[%get3A_23, %get3A_24, %get3A_25, %get3A_26] : memref<1x1x1x512xf32, #tpu.memory_space<vmem>>, vector<1x1x1x512xf32>
    %get3A_28 = vector.shape_cast %get3A_27 : vector<1x1x1x512xf32> to vector<1x512xf32>
    %add3A = vector.broadcast %get3A_28 : vector<1x512xf32> to vector<320x512xf32>
    %add3A_29 = arith.addf %dot_general3A_22, %add3A : vector<320x512xf32>
    %max3A = arith.constant 0.000000e+00 : f32
    %max3A_30 = vector.broadcast %max3A : f32 to vector<320x512xf32>
    %max3A_31 = arith.maximumf %add3A_29, %max3A_30 : vector<320x512xf32>
    %get3A_32 = arith.constant 0 : index
    %get3A_33 = arith.constant 0 : index
    %get3A_34 = arith.constant 0 : index
    %get3A_35 = vector.load %arg7[%get3A_32, %get3A_33, %get3A_34] : memref<1x512x1024xf32, #tpu.memory_space<vmem>>, vector<1x512x1024xf32>
    %get3A_36 = vector.shape_cast %get3A_35 : vector<1x512x1024xf32> to vector<512x1024xf32>
    %dot_general3A_37 = arith.constant dense<0.000000e+00> : vector<320x1024xf32>
    %dot_general3A_38 = tpu.matmul %max3A_31, %get3A_36, %dot_general3A_37 {dimension_numbers = #tpu.dot_dimension_numbers<[1], [0], [0], [1], [0, 0, 1, 1], [], []>, transpose_lhs_hint = false} : vector<320x512xf32>, vector<512x1024xf32>, vector<320x1024xf32> -> vector<320x1024xf32>
    %eq3A_39 = arith.constant 0 : i32
    %eq3A_40 = arith.cmpi eq, %arg1, %eq3A_39 : i32
    %convert_element_type3A_41 = arith.extui %eq3A_40 : i1 to i32
    %cond3A_42 = arith.constant 0 : i32
    %cond3A_43 = arith.cmpi ne, %convert_element_type3A_41, %cond3A_42 : i32
    scf.if %cond3A_43 {
      %swap3A = arith.constant 0 : index
      %swap3A_53 = arith.constant 0 : index
      %swap3A_54 = vector.load %arg10[%swap3A, %swap3A_53] : memref<320x1024xf32, #tpu.memory_space<vmem>>, vector<320x1024xf32>
      tpu.vector_store %arg10[%swap3A, %swap3A_53], %dot_general3A_38 {strides = array<i32>} : memref<320x1024xf32, #tpu.memory_space<vmem>>, vector<320x1024xf32>,
    } else {
    }
    %gt3A = arith.constant 0 : i32
    %gt3A_44 = arith.cmpi sgt, %arg1, %gt3A : i32
    %convert_element_type3A_45 = arith.extui %gt3A_44 : i1 to i32
    %cond3A_46 = arith.constant 0 : i32
    %cond3A_47 = arith.cmpi ne, %convert_element_type3A_45, %cond3A_46 : i32
    scf.if %cond3A_47 {
      %get3A_53 = arith.constant 0 : index
      %get3A_54 = arith.constant 0 : index
      %get3A_55 = vector.load %arg10[%get3A_53, %get3A_54] : memref<320x1024xf32, #tpu.memory_space<vmem>>, vector<320x1024xf32>
      %add3A_56 = arith.addf %get3A_55, %dot_general3A_38 : vector<320x1024xf32>
      %swap3A = arith.constant 0 : index
      %swap3A_57 = arith.constant 0 : index
      %swap3A_58 = vector.load %arg10[%swap3A, %swap3A_57] : memref<320x1024xf32, #tpu.memory_space<vmem>>, vector<320x1024xf32>
      tpu.vector_store %arg10[%swap3A, %swap3A_57], %add3A_56 {strides = array<i32>} : memref<320x1024xf32, #tpu.memory_space<vmem>>, vector<320x1024xf32>,
    } else {
    }
    %eq3A_48 = arith.constant 7 : i32
    %eq3A_49 = arith.cmpi eq, %arg1, %eq3A_48 : i32
    %convert_element_type3A_50 = arith.extui %eq3A_49 : i1 to i32
    %cond3A_51 = arith.constant 0 : i32
    %cond3A_52 = arith.cmpi ne, %convert_element_type3A_50, %cond3A_51 : i32
    scf.if %cond3A_52 {
      %get3A_53 = arith.constant 0 : index
      %get3A_54 = arith.constant 0 : index
      %get3A_55 = vector.load %arg10[%get3A_53, %get3A_54] : memref<320x1024xf32, #tpu.memory_space<vmem>>, vector<320x1024xf32>
      %get3A_56 = arith.constant 0 : index
      %get3A_57 = arith.constant 0 : index
      %get3A_58 = arith.constant 0 : index
      %get3A_59 = vector.load %arg8[%get3A_56, %get3A_57, %get3A_58] : memref<1x1x1024xf32, #tpu.memory_space<vmem>>, vector<1x1x1024xf32>
      %get3A_60 = vector.shape_cast %get3A_59 : vector<1x1x1024xf32> to vector<1x1024xf32>
      %add3A_61 = vector.broadcast %get3A_60 : vector<1x1024xf32> to vector<320x1024xf32>
      %add3A_62 = arith.addf %get3A_55, %add3A_61 : vector<320x1024xf32>
      %get3A_63 = arith.constant 0 : index
      %get3A_64 = arith.constant 0 : index
      %get3A_65 = vector.load %arg9[%get3A_63, %get3A_64] : memref<2048x1024xf32, #tpu.memory_space<vmem>>, vector<2048x1024xf32>
      %get3A_66 = arith.constant 0 : index
      %get3A_67 = arith.constant 0 : index
      %get3A_68 = arith.constant 0 : index
      %get3A_69 = vector.load %arg4[%get3A_66, %get3A_67, %get3A_68] : memref<1x1x320xf32, #tpu.memory_space<vmem>>, vector<1x1x320xf32>
      %get3A_70 = vector.shape_cast %get3A_69 : vector<1x1x320xf32> to vector<1x320xf32>
      %mul3A = vector.broadcast %get3A_70 : vector<1x320xf32> to vector<2048x320xf32>
      %mul3A_71 = arith.mulf %convert_element_type3A_11, %mul3A : vector<2048x320xf32>
      %dot_general3A_72 = arith.constant dense<0.000000e+00> : vector<2048x1024xf32>
      %dot_general3A_73 = tpu.matmul %mul3A_71, %add3A_62, %dot_general3A_72 {dimension_numbers = #tpu.dot_dimension_numbers<[1], [0], [0], [1], [0, 0, 1, 1], [], []>, transpose_lhs_hint = false} : vector<2048x320xf32>, vector<320x1024xf32>, vector<2048x1024xf32> -> vector<2048x1024xf32>
      %add3A_74 = arith.addf %get3A_65, %dot_general3A_73 : vector<2048x1024xf32>
      %swap3A = arith.constant 0 : index
      %swap3A_75 = arith.constant 0 : index
      %swap3A_76 = vector.load %arg9[%swap3A, %swap3A_75] : memref<2048x1024xf32, #tpu.memory_space<vmem>>, vector<2048x1024xf32>
      tpu.vector_store %arg9[%swap3A, %swap3A_75], %add3A_74 {strides = array<i32>} : memref<2048x1024xf32, #tpu.memory_space<vmem>>, vector<2048x1024xf32>,
    } else {
    }
    return
  }
  func.func @transform_0(%arg0: i32, %arg1: i32) -> (i32, i32, i32) {
    %c0_i32 = arith.constant 0 : i32
    %c0_i32_0 = arith.constant 0 : i32
    %c0_i32_1 = arith.constant 0 : i32
    return %arg0, %c0_i32, %c0_i32_0 : i32, i32, i32
  }
  func.func @transform_1(%arg0: i32, %arg1: i32) -> (i32, i32, i32) {
    %c0_i32 = arith.constant 0 : i32
    %c0_i32_0 = arith.constant 0 : i32
    %c0_i32_1 = arith.constant 0 : i32
    return %arg0, %c0_i32, %c0_i32_0 : i32, i32, i32
  }
  func.func @transform_2(%arg0: i32, %arg1: i32) -> (i32, i32, i32) {
    %c0_i32 = arith.constant 0 : i32
    %c0_i32_0 = arith.constant 0 : i32
    %c0_i32_1 = arith.constant 0 : i32
    return %arg0, %c0_i32, %c0_i32_0 : i32, i32, i32
  }
  func.func @transform_3(%arg0: i32, %arg1: i32) -> (i32, i32, i32) {
    %c0_i32 = arith.constant 0 : i32
    %c0_i32_0 = arith.constant 0 : i32
    return %arg0, %c0_i32, %arg1 : i32, i32, i32
  }
  func.func @transform_4(%arg0: i32, %arg1: i32) -> (i32, i32, i32, i32) {
    %c0_i32 = arith.constant 0 : i32
    %c0_i32_0 = arith.constant 0 : i32
    %c0_i32_1 = arith.constant 0 : i32
    return %arg0, %arg1, %c0_i32, %c0_i32_0 : i32, i32, i32, i32
  }
  func.func @transform_5(%arg0: i32, %arg1: i32) -> (i32, i32, i32) {
    %c0_i32 = arith.constant 0 : i32
    %c0_i32_0 = arith.constant 0 : i32
    return %arg0, %arg1, %c0_i32 : i32, i32, i32
  }
  func.func @transform_6(%arg0: i32, %arg1: i32) -> (i32, i32, i32) {
    %c0_i32 = arith.constant 0 : i32
    %c0_i32_0 = arith.constant 0 : i32
    %c0_i32_1 = arith.constant 0 : i32
    return %arg0, %c0_i32, %c0_i32_0 : i32, i32, i32
  }
  func.func @transform_7(%arg0: i32, %arg1: i32) -> (i32, i32) {
    %c0_i32 = arith.constant 0 : i32
    %c0_i32_0 = arith.constant 0 : i32
    %c0_i32_1 = arith.constant 0 : i32
    return %c0_i32, %c0_i32_0 : i32, i32
  }
}

module attributes {stable_mosaic.version = 14 : i64} {
  func.func @_add_kernel(%arg0: i32, %arg1: memref<256x1024xf32, #tpu.memory_space<vmem>>, %arg2: memref<256x1024xf32, #tpu.memory_space<vmem>>, %arg3: memref<256x1024xf32, #tpu.memory_space<vmem>>) attributes {dimension_semantics = [#tpu.dimension_semantics<arbitrary>], iteration_bounds = array<i64: 8>, scalar_prefetch = 0 : i64, scratch_operands = 0 : i64, tpu.core_type = #tpu.core_type<tc>, window_params = [{transform_indices = @transform_0, window_bounds = array<i64: 256, 1024>}, {transform_indices = @transform_1, window_bounds = array<i64: 256, 1024>}, {transform_indices = @transform_2, window_bounds = array<i64: 256, 1024>}]} {
    %get3A = arith.constant 0 : index
    %get3A_0 = arith.constant 0 : index
    %get3A_1 = vector.load %arg1[%get3A, %get3A_0] : memref<256x1024xf32, #tpu.memory_space<vmem>>, vector<256x1024xf32>
    %get3A_2 = arith.constant 0 : index
    %get3A_3 = arith.constant 0 : index
    %get3A_4 = vector.load %arg2[%get3A_2, %get3A_3] : memref<256x1024xf32, #tpu.memory_space<vmem>>, vector<256x1024xf32>
    %add3A = arith.addf %get3A_1, %get3A_4 : vector<256x1024xf32>
    %swap3A = arith.constant 0 : index
    %swap3A_5 = arith.constant 0 : index
    %swap3A_6 = vector.load %arg3[%swap3A, %swap3A_5] : memref<256x1024xf32, #tpu.memory_space<vmem>>, vector<256x1024xf32>
    tpu.vector_store %arg3[%swap3A, %swap3A_5], %add3A {strides = array<i32>} : memref<256x1024xf32, #tpu.memory_space<vmem>>, vector<256x1024xf32>,
    return
  }
  func.func @transform_0(%arg0: i32) -> (i32, i32) {
    %c0_i32 = arith.constant 0 : i32
    %c0_i32_0 = arith.constant 0 : i32
    return %arg0, %c0_i32 : i32, i32
  }
  func.func @transform_1(%arg0: i32) -> (i32, i32) {
    %c0_i32 = arith.constant 0 : i32
    %c0_i32_0 = arith.constant 0 : i32
    return %arg0, %c0_i32 : i32, i32
  }
  func.func @transform_2(%arg0: i32) -> (i32, i32) {
    %c0_i32 = arith.constant 0 : i32
    %c0_i32_0 = arith.constant 0 : i32
    return %arg0, %c0_i32 : i32, i32
  }
}

</mosaic_0001>

<sc_bundles>
// kernel: kernel.19.cloned.1.call-start
scs
__scs_entry_jumppad:
0x0: {  	(pc) =	sbr.rel $0x88, $3  }
0x1: {  	(tag) =	ssettag $0x0;
	lr =	simm.s32 $0x1  }
0x2: {  	[smem:$0x3F7D] =	sst lr;
	_ =	strace $0xD0000000  }
0x3: {  	_ = 	snop  }
0x4: {  	_ = 	snop  }
0x5: {  	_ = 	snop  }
0x6: {  	_ = 	snop  }
0x7: {  	_ = 	snop  }
__scs_overlays_trampoline_lowered:
0x8: {  	[smem:$0x3F8C] =	sst s0  }
0x9: {  	[smem:$0x3F8D] =	sst s1  }
0xa: {  	[smem:$0x3F8E] =	sst s2  }
0xb: {  	[smem:$0x3F8F] =	sst s3  }
0xc: {  	[smem:$0x3F90] =	sst s4  }
0xd: {  	[smem:$0x3F91] =	sst s5  }
0xe: {  	[smem:$0x3F92] =	sst s6  }
0xf: {  	[smem:$0x3F93] =	sst s7  }
0x10: {  	[smem:$0x3F94] =	sst s8  }
0x11: {  	[smem:$0x3F95] =	sst s9;
	s0 =	simm.s32 @!p0 $0x0  }
0x12: {  	s1 =	sld [smem:$0x3F7B];
	s0 =	simm.s32 @p0 $0x1  }
0x13: {  	[smem:$0x3F96] =	sst s0;
	s0 =	simm.s32 @!p1 $0x0  }
0x14: {  	s2 =	sld [smem:$0x3F7A];
	s0 =	simm.s32 @p1 $0x1  }
0x15: {  	[smem:$0x3F97] =	sst s0;
	s0 =	simm.s32 @!p2 $0x0  }
0x16: {  	s3 =	sld [smem:$0x3FDB];
	s0 =	simm.s32 @p2 $0x1  }
0x17: {  	s4 =	simm.s32 $0x1BF5;
	[smem:$0x3F99] =	sst s0  }
0x18: {  	s0 =	sld [smem:$0x3F7C];
	_ =	swait.ge [sflag:s4], $0x0  }
0x19: {  	s7 =	sld [smem:$0x3F7D]  }
0x1a: {  	s8 =	sadd.s32 $0xFFFFE003, lr  }
0x1b: {  	s9 =	sadd.s32 $0xFFFFFEF7, lr;
	s5 =	simm.s32 $0xFFFFFFFF;
	p2 =	slt.u32 s8, $0xFFFFF086  }
0x1c: {  	p1 =	slt.u32 s9, $0xF7A;
	s5 =	simm.s32 @!p2 $0x0  }
0x1d: {  	s5 =	simm.s32 @p1 $0x1;
	p0 =	seq.s32 s7, s2  }
0x1e: {  	s7 =	smul.u32 @!p0 $0xF7A, s2;
	p2 =	seq.s32 @!p0 s5, $0x0  }
0x1f: {  	s9 =	smul.u32 $0xF7A, s1;
	s8 =	simm.s32 @!p0 $0x1BF5;
	p2 =	por !p2, p0  }
0x20: {  	[sflag:s8] =	ssyncset.s32 @!p0 $0xFFFFF086;
	s6 =	sadd.s32 @!p0 s3, s7;
	s7 =	simm.s32 @!p0 $0x108  }
0x21: {  	s3 =	sadd.s32 s3, s9;
	s6 =	sadd.s32 @!p0 $0x88, s6;
	s7 =	simm.s32 @p2 $0x1082  }
0x22: {  	[simem:s7], [sflag:s8] =	dma.local @!p0 [hbm:s6], $0xF7A  }
0x23: {  	s9 =	sor.u32 $0xD0000000, s2;
	s6 =	simm.s32 $0x108;
	_ =	swait.ge @!p0 [sflag:s8], $0x0  }
0x24: {  	s3 =	sadd.s32 $0x88, s3;
	s6 =	simm.s32 @!p1 $0x1082;
	[sflag:s4] =	ssyncset.s32 $0xFFFFF086  }
0x25: {  	[simem:s6], [sflag:s4] =	dma.local [hbm:s3], $0xF7A  }
0x26: {  	[smem:$0x3F7D] =	sst s1;
	(tag) =	ssettag s2;
	_ =	strace s9  }
0x27: {  	s1 =	sld [smem:$0x3F8D]  }
0x28: {  	s2 =	sld [smem:$0x3F8E]  }
0x29: {  	s4 =	sld [smem:$0x3F90]  }
0x2a: {  	p0 =	seq.s32 s5, $0x0;
	s5 =	sld [smem:$0x3F91]  }
0x2b: {  	s6 =	sld [smem:$0x3F92]  }
0x2c: {  	s7 =	sld [smem:$0x3F93]  }
0x2d: {  	s3 =	simm.s32 $0x108;
	s8 =	sld [smem:$0x3F94]  }
0x2e: {  	s3 =	simm.s32 @!p0 $0x1082;
	s9 =	sld [smem:$0x3F95]  }
0x2f: {  	lr =	sadd.s32 s0, s3;
	s0 =	sld [smem:$0x3F8C]  }
0x30: {  	s3 =	sld [smem:$0x3F8F]  }
0x31: {  	[smem:$0x3F98] =	sst s10  }
0x32: {  	s10 =	sld [smem:$0x3F96];
	_ =	sdelay $0x3  }
0x33: {  	p0 =	seq.s32 s10, $0x1;
	s10 =	sld [smem:$0x3F98];
	_ =	sdelay $0x3  }
0x34: {  	[smem:$0x3F98] =	sst s10  }
0x35: {  	s10 =	sld [smem:$0x3F97];
	_ =	sdelay $0x3  }
0x36: {  	p1 =	seq.s32 s10, $0x1;
	s10 =	sld [smem:$0x3F98];
	_ =	sdelay $0x3  }
0x37: {  	[smem:$0x3F98] =	sst s10  }
0x38: {  	s10 =	sld [smem:$0x3F99]  }
0x39: {  	_ = 	snop;
	(pc) =	sbr.ind lr, $3  }
0x3a: {  	_ = 	snop  }
0x3b: {  	_ = 	snop  }
0x3c: {  	p2 =	seq.s32 s10, $0x1;
	s10 =	sld [smem:$0x3F98]  }
0x3d: {  	_ =	shalt  }
0x3e: {  	_ =	shalt  }
0x3f: {  	_ =	shalt  }
0x40: {  	_ =	shalt  }
0x41: {  	_ =	shalt  }
0x42: {  	_ =	shalt  }
0x43: {  	_ =	shalt  }
0x44: {  	_ =	shalt  }
0x45: {  	_ =	shalt  }
0x46: {  	_ =	shalt  }
0x47: {  	_ =	shalt  }
0x48: {  	_ =	shalt  }
0x49: {  	_ =	shalt  }
0x4a: {  	_ =	shalt  }
0x4b: {  	_ =	shalt  }
0x4c: {  	_ =	shalt  }
0x4d: {  	_ =	shalt  }
0x4e: {  	_ =	shalt  }
0x4f: {  	_ =	shalt  }
0x50: {  	_ =	shalt  }
0x51: {  	_ =	shalt  }
0x52: {  	_ =	shalt  }
0x53: {  	_ =	shalt  }
0x54: {  	_ =	shalt  }
0x55: {  	_ =	shalt  }
0x56: {  	_ =	shalt  }
0x57: {  	_ =	shalt  }
0x58: {  	_ =	shalt  }
0x59: {  	_ =	shalt  }
0x5a: {  	_ =	shalt  }
0x5b: {  	_ =	shalt  }
0x5c: {  	_ =	shalt  }
0x5d: {  	_ =	shalt  }
0x5e: {  	_ =	shalt  }
0x5f: {  	_ =	shalt  }
0x60: {  	_ =	shalt  }
0x61: {  	_ =	shalt  }
0x62: {  	_ =	shalt  }
0x63: {  	_ =	shalt  }
0x64: {  	_ =	shalt  }
0x65: {  	_ =	shalt  }
0x66: {  	_ =	shalt  }
0x67: {  	_ =	shalt  }
0x68: {  	_ =	shalt  }
0x69: {  	_ =	shalt  }
0x6a: {  	_ =	shalt  }
0x6b: {  	_ =	shalt  }
0x6c: {  	_ =	shalt  }
0x6d: {  	_ =	shalt  }
0x6e: {  	_ =	shalt  }
0x6f: {  	_ =	shalt  }
0x70: {  	_ =	shalt  }
0x71: {  	_ =	shalt  }
0x72: {  	_ =	shalt  }
0x73: {  	_ =	shalt  }
0x74: {  	_ =	shalt  }
0x75: {  	_ =	shalt  }
0x76: {  	_ =	shalt  }
0x77: {  	_ =	shalt  }
0x78: {  	_ =	shalt  }
0x79: {  	_ =	shalt  }
0x7a: {  	_ =	shalt  }
0x7b: {  	_ =	shalt  }
0x7c: {  	_ =	shalt  }
0x7d: {  	_ =	shalt  }
0x7e: {  	_ =	shalt  }
0x7f: {  	_ =	shalt  }
0x80: {  	_ =	shalt  }
0x81: {  	_ =	shalt  }
0x82: {  	_ =	shalt  }
0x83: {  	_ =	shalt  }
0x84: {  	_ =	shalt  }
0x85: {  	_ =	shalt  }
0x86: {  	_ =	shalt  }
0x87: {  	_ =	shalt  }
.Lfunc_end0:
.L_simem_size_0:
called_computation_lowered:
.L_overlay_start_0:
0x88: {  	s2 =	sld [smem:$0x3FD9]  }
0x89: {  	s3 =	sld [smem:$0x3FFE];
	_ =	sdelay $0x1  }
0x8a: {  	s1 =	srdreg.scid  }
0x8b: {  	s0 =	sand.u32 $0x1, s1  }
0x8c: {  	s14 =	sshll.u32 s0, $0xA;
	s2 =	sadd.s32 s3, s2  }
0x8d: {  	s2 =	sadd.s32 s2, s14  }
0x8e: {  	[smem:$0x3FA4] =	sst s2  }
0x8f: {  	_ = 	snop  }
0x90: {  	s2 =	sld [smem:$0x3FD0];
	_ =	sdelay $0x2  }
0x91: {  	s15 =	simm.s32 $0xA;
	s4 =	simm.s32 $0x10  }
0x92: {  	[smem:s4], [sflag:s15] =	dma.local [hbm:s2], $0x1  }
0x93: {  	_ =	swait.eq [sflag:s15], $0x1  }
0x94: {  	[sflag:s15] =	ssyncset.done $0x0  }
0x95: {  	[sflag:s15] =	ssyncadd.s32 $0xFFFFFFFF  }
0x96: {  	s16 =	sld [smem:$0x10];
	(tm) =	ssettm $0x1  }
0x97: {  	s17 =	sld [smem:$0x3FFB];
	_ =	sdelay $0x3  }
0x98: {  	_ =	strace s17  }
0x99: {  	s3 =	sld [smem:$0x3FFC];
	_ =	sdelay $0x3  }
0x9a: {  	_ =	strace s3  }
0x9b: {  	s3 =	sld [smem:$0x3FFD];
	_ =	sdelay $0x3  }
0x9c: {  	_ =	strace s3  }
0x9d: {  	_ =	strace $0x8FFFFFFF  }
0x9e: {  	s18 =	sld [smem:$0x3FDB];
	_ =	sdelay $0x1  }
0x9f: {  	s19 =	simm.s32 $_scs_section_size  }
0xa0: {  	s5 =	simm.s32 $_size__tile_overlayer_lowered;
	s6 =	simm.s32 $_tile_overlayer_lowered  }
0xa1: {  	s22 =	simm.s32 $0x1BFF;
	s21 =	sshll.u32 s6, $0x1;
	s3 =	sadd.s32 s19, s18  }
0xa2: {  	s7 =	simm.s32 $0x0;
	s20 =	sshll.u32 s5, $0x1;
	s5 =	sadd.s32 s21, s3  }
0xa3: {  	[timem:s7], [sflag:s22] =	dma.local [hbm:s5], s20  }
0xa4: {  	_ =	swait.ge [sflag:s22], s20  }
0xa5: {  	s4 =	ssub.s32 $0x0, s20;
	[sflag:s22] =	ssyncset.done $0x0  }
0xa6: {  	[sflag:s22] =	ssyncadd.s32 s4;
	_ =	sdelay $0x1  }
0xa7: {  	s23 =	simm.s32 $0x1B8B  }
0xa8: {  	_ =	swait.ge [sflag:s23], $0x1  }
0xa9: {  	[sflag:s23] =	ssyncset.done $0x0  }
0xaa: {  	s25 =	simm.s32 $0x1B8E;
	s24 =	sld [smem:$0x3FFE];
	[sflag:s23] =	ssyncadd.s32 $0xFFFFFFFF  }
0xab: {  	s26 =	simm.s32 $execute0_lowered;
	[smem:$0x3FD2] =	sst s25  }
0xac: {  	s5 =	sshll.u32 s26, $0x1;
	_ =	strace $0x80000046;
	[dreg:$0x1] =	wrdreg $0xFFFFFFFF  }
0xad: {  	s28 =	simm.s32 $_size_execute0_lowered;
	s3 =	sadd.s32 s3, s5;
	[dreg:$0x0] =	wrdreg $0x0  }
0xae: {  	s5 =	sshll.u32 s28, $0x1;
	[dreg:$0x2] =	wrdreg s3  }
0xaf: {  	[dreg:$0x3] =	wrdreg s5  }
0xb0: {  	[dreg:$0x4] =	wrdreg $0xC0  }
0xb1: {  	_ =	task [dreg:s7], $0x5FFFF  }
0xb2: {  	[dreg:$0x1] =	wrdreg $0xFFFFFFFF  }
0xb3: {  	[dreg:$0x0] =	wrdreg $0x60  }
0xb4: {  	[dreg:$0x2] =	wrdreg s16  }
0xb5: {  	[dreg:$0x3] =	wrdreg s24  }
0xb6: {  	[dreg:$0x4] =	wrdreg $0x9  }
0xb7: {  	_ =	task.clear_ibuf [dreg:s7], $0x5FFFF;
	_ =	strace $0x90000046  }
0xb8: {  	s29 =	simm.s32 $0x9;
	_ =	strace $0x80000048  }
0xb9: {  	_ =	swait.ge [sflag:s29], $0x1  }
0xba: {  	[sflag:s29] =	ssyncadd.s32 $0xFFFFFFFF  }
0xbb: {  	_ =	strace $0x90000048  }
0xbc: {  	_ =	sfence  }
0xbd: {  	s30 =	sld [smem:$0x0];
	_ =	sdelay $0x2  }
0xbe: {  	s31 =	sshll.u32 s1, $0xD;
	s1 =	sshrl.u32 s1, $0x2  }
0xbf: {  	s3 =	sand.u32 $0x4000, s31;
	s1 =	sadd.s32 s1, s30  }
0xc0: {  	s0 =	sor.u32 s3, s0;
	s1 =	sshll.u32 s1, $0x11  }
0xc1: {  	s0 =	sor.u32 s1, s0  }
0xc2: {  	s0 =	sadd.s32 $0x8F2B, s0  }
0xc3: {  	[sflag:s0] =	ssyncadd.remote.s32 $0x1  }
0xc4: {  	_ =	sfence.sel $0xFFFF  }
0xc5: {  	[dreg:$0x0] =	wrdreg $0xFFFFFFFF;
	(pc) =	sbr.abs _section_cstart, $3  }
0xc6: {  	[dreg:$0x1] =	wrdreg $0xFFFFFFFF  }
0xc7: {  	_ =	task.clear_ibuf [dreg:s7], $0x2FFFF;
	_ =	strace $0x9FFFFFFF  }
0xc8: {  	(tm) =	ssettm $0x7FFFFFFF  }
0xc9: {  	_ =	shalt  }
tec
execute0_lowered:
.L_overlay_start_1:
0x0: {  	(tag) =	ssettag $0x1  }
0x1: {  	s1 =	srdreg.scid;
	s0 =	stileid.u32  }
0x2: {  	s2 =	rddreg [dreg:$0x0];
	s1 =	sand.u32 $0x1, s1;
	s3 =	sshll.u32 s0, $0x1  }
0x3: {  	s5 =	rddreg [dreg:$0x1];
	s4 =	sor.u32 s1, s3;
	s3 =	simm.s32 $0x0  }
0x4: {  	s10 =	simm.s32 $0x880;
	[smem:$0x7FF] =	sst s3  }
0x5: {  	s11 =	simm.s32 $0x1080;
	_ =	strace $0x80000047;
	[dreg:$0x5] =	wrdreg s10  }
0x6: {  	s12 =	simm.s32 $0x1880;
	[dreg:$0x6] =	wrdreg s11  }
0x7: {  	s13 =	simm.s32 $0x2080;
	[dreg:$0x7] =	wrdreg s12  }
0x8: {  	s14 =	simm.s32 $0x2880;
	[dreg:$0x8] =	wrdreg s13  }
0x9: {  	s15 =	simm.s32 $0x3080;
	[dreg:$0x9] =	wrdreg s14  }
0xa: {  	s16 =	simm.s32 $0x3880;
	[dreg:$0xa] =	wrdreg s15  }
0xb: {  	s17 =	simm.s32 $0x4080;
	[dreg:$0xb] =	wrdreg s16  }
0xc: {  	s18 =	simm.s32 $0x4880;
	[dreg:$0xc] =	wrdreg s17  }
0xd: {  	s19 =	simm.s32 $0x5080;
	[dreg:$0xd] =	wrdreg s18  }
0xe: {  	s20 =	simm.s32 $0x5880;
	s22 =	simm.s32 $0x6080;
	[dreg:$0xe] =	wrdreg s19  }
0xf: {  	s23 =	simm.s32 $0x6880;
	s24 =	simm.s32 $0x7080;
	[dreg:$0xf] =	wrdreg s20  }
0x10: {  	s7 =	simm.s32 $0x7880;
	s8 =	simm.s32 $0x8080;
	[dreg:$0x10] =	wrdreg s22  }
0x11: {  	s25 =	simm.s32 $0x8880;
	s26 =	simm.s32 $0x9080;
	[dreg:$0x11] =	wrdreg s23  }
0x12: {  	s28 =	simm.s32 $0x12080;
	s29 =	simm.s32 $0x12880;
	[dreg:$0x12] =	wrdreg s24  }
0x13: {  	s30 =	simm.s32 $0x13080;
	s31 =	simm.s32 $0x13880;
	[dreg:$0x13] =	wrdreg s7  }
0x14: {  	s1 =	ssub.s32 $0x2, s1;
	s6 =	smul.u32 $0x2800, s4;
	[dreg:$0x14] =	wrdreg s8  }
0x15: {  	s4 =	smul.u32 $0xA, s4;
	s21 =	sshrl.u32 s1, $0x1;
	[dreg:$0x15] =	wrdreg s25  }
0x16: {  	s1 =	ssub.s32 s1, s21;
	s8 =	simm.s32 $0x2;
	[dreg:$0x16] =	wrdreg s26  }
0x17: {  	s11 =	simm.s32 $0xA080;
	s12 =	simm.s32 $0xA880;
	s13 =	simm.s32 $0xB080  }
0x18: {  	s14 =	simm.s32 $0xB880;
	s15 =	simm.s32 $0xC080;
	s16 =	simm.s32 $0xC880  }
0x19: {  	s17 =	simm.s32 $0xD080;
	s18 =	simm.s32 $0xD880;
	s19 =	simm.s32 $0xE080  }
0x1a: {  	s20 =	simm.s32 $0xE880;
	s21 =	simm.s32 $0xF080;
	s22 =	simm.s32 $0xF880  }
0x1b: {  	s23 =	simm.s32 $0x10080;
	s24 =	simm.s32 $0x10880;
	s25 =	simm.s32 $0x11080  }
0x1c: {  	s26 =	simm.s32 $0x11880;
	s6 =	sadd.s32 s6, s5;
	s4 =	sadd.s32 s5, s4  }
0x1d: {  	v2 =	vlaneseq.u32;
	s5 =	sadd.s32 $0x200, s2;
	s7 =	smax.u32 s1, $0x1;
	s1 =	simm.s32 $0x1  }
0x1e: {  	vm0 =	vmmov $0xffff;
	v1 =	vshrl.u32 v2, $0x3;
	[dreg:$0x3] =	wrdreg s4;
	s9 =	sadd.s32 $0x200, s6;
	s4 =	sadd.s32 $0x100, s2  }
0x1f: {  	v0 =	vand.u32 $0x7, v2;
	v2 =	vor.u32 $0x8, v2;
	v1 =	vmul.u32 $0x8, v1;
	s6 =	sadd.s32 $0x300, s2;
	[dreg:$0x4] =	wrdreg s9;
	s9 =	simm.s32 $0x80  }
.LBB2_1:
0x20: {  	s0 =	rddreg [dreg:$0x3]  }
0x21: {  	[tilespmem:s3], [sflag:$0x2] =	stream.linear.gather [hbm4b:s0+s3], $0x50, $0x38;
	[tilespmem:$0x14080] =	vst v63  }
0x22: {  	_ =	swait.ge [sflag:s8], $0x50  }
0x23: {  	[sflag:s8] =	ssyncset.done $0x0  }
0x24: {  	[sflag:s8] =	ssyncadd.s32 $0xFFFFFFB0  }
0x25: {  	v3 =	vld [tilespmem:$0x0];
	_ =	sdelay $0x4  }
0x26: {  	v4 =	vshll.u32 v3, $0x3  }
0x27: {  	v3 =	vand.u32 $0x7, v3;
	v4 =	vand.u32 $0xFFFFFFC0, v4  }
0x28: {  	v3 =	vor.u32 v3, v4  }
0x29: {  	v4 =	vperm.xlane v3, v0;
	_ =	sdelay $0x1  }
0x2a: {  	v4 =	vadd.s32 v1, v4;
	_ =	sdelay $0x4  }
0x2b: {  	[tilespmem:s9], [sflag:$0x1] =	stream.indirect_vreg.gather [hbm4b:s2+s3], $0x80, v4, vm0, $0xb8;
	[tilespmem:$0x14080] =	vst v63  }
0x2c: {  	s0 =	rddreg [dreg:$0x5];
	v3 =	vperm.xlane v3, v2  }
0x2d: {  	[tilespmem:s0], [sflag:$0x1] =	stream.indirect_vreg.gather [hbm4b:s4+s3], $0x80, v4, vm0, $0xb8;
	[tilespmem:$0x14080] =	vst v63  }
0x2e: {  	s10 =	rddreg [dreg:$0x6];
	v3 =	vadd.s32 v1, v3  }
0x2f: {  	[tilespmem:s10], [sflag:$0x1] =	stream.indirect_vreg.gather [hbm4b:s5+s3], $0x80, v4, vm0, $0xb8;
	[tilespmem:$0x14080] =	vst v63  }
0x30: {  	s0 =	rddreg [dreg:$0x7]  }
0x31: {  	[tilespmem:s0], [sflag:$0x1] =	stream.indirect_vreg.gather [hbm4b:s6+s3], $0x80, v4, vm0, $0xb8;
	[tilespmem:$0x14080] =	vst v63  }
0x32: {  	s10 =	rddreg [dreg:$0x8]  }
0x33: {  	[tilespmem:s10], [sflag:$0x1] =	stream.indirect_vreg.gather [hbm4b:s2+s3], $0x80, v3, vm0, $0xb8;
	[tilespmem:$0x14080] =	vst v63  }
0x34: {  	s0 =	rddreg [dreg:$0x9]  }
0x35: {  	[tilespmem:s0], [sflag:$0x1] =	stream.indirect_vreg.gather [hbm4b:s4+s3], $0x80, v3, vm0, $0xb8;
	[tilespmem:$0x14080] =	vst v63  }
0x36: {  	s10 =	rddreg [dreg:$0xa]  }
0x37: {  	[tilespmem:s10], [sflag:$0x1] =	stream.indirect_vreg.gather [hbm4b:s5+s3], $0x80, v3, vm0, $0xb8;
	[tilespmem:$0x14080] =	vst v63  }
0x38: {  	s0 =	rddreg [dreg:$0xb]  }
0x39: {  	[tilespmem:s0], [sflag:$0x1] =	stream.indirect_vreg.gather [hbm4b:s6+s3], $0x80, v3, vm0, $0xb8;
	[tilespmem:$0x14080] =	vst v63  }
0x3a: {  	v3 =	vld [tilespmem:$0x10];
	_ =	sdelay $0x4  }
0x3b: {  	v60 =	vshll.u32 v3, $0x3  }
0x3c: {  	v3 =	vand.u32 $0x7, v3;
	v4 =	vand.u32 $0xFFFFFFC0, v60  }
0x3d: {  	v3 =	vor.u32 v3, v4  }
0x3e: {  	v4 =	vperm.xlane v3, v0;
	_ =	sdelay $0x1  }
0x3f: {  	v4 =	vadd.s32 v1, v4;
	_ =	sdelay $0x3  }
0x40: {  	s0 =	rddreg [dreg:$0xc]  }
0x41: {  	[tilespmem:s0], [sflag:$0x1] =	stream.indirect_vreg.gather [hbm4b:s2+s3], $0x80, v4, vm0, $0xb8;
	[tilespmem:$0x14080] =	vst v63  }
0x42: {  	s10 =	rddreg [dreg:$0xd];
	v3 =	vperm.xlane v3, v2  }
0x43: {  	[tilespmem:s10], [sflag:$0x1] =	stream.indirect_vreg.gather [hbm4b:s4+s3], $0x80, v4, vm0, $0xb8;
	[tilespmem:$0x14080] =	vst v63  }
0x44: {  	v3 =	vadd.s32 v1, v3;
	s0 =	rddreg [dreg:$0xe]  }
0x45: {  	[tilespmem:s0], [sflag:$0x1] =	stream.indirect_vreg.gather [hbm4b:s5+s3], $0x80, v4, vm0, $0xb8;
	[tilespmem:$0x14080] =	vst v63  }
0x46: {  	s10 =	rddreg [dreg:$0xf]  }
0x47: {  	[tilespmem:s10], [sflag:$0x1] =	stream.indirect_vreg.gather [hbm4b:s6+s3], $0x80, v4, vm0, $0xb8;
	[tilespmem:$0x14080] =	vst v63  }
0x48: {  	s0 =	rddreg [dreg:$0x10]  }
0x49: {  	[tilespmem:s0], [sflag:$0x1] =	stream.indirect_vreg.gather [hbm4b:s2+s3], $0x80, v3, vm0, $0xb8;
	[tilespmem:$0x14080] =	vst v63  }
0x4a: {  	s10 =	rddreg [dreg:$0x11]  }
0x4b: {  	[tilespmem:s10], [sflag:$0x1] =	stream.indirect_vreg.gather [hbm4b:s4+s3], $0x80, v3, vm0, $0xb8;
	[tilespmem:$0x14080] =	vst v63  }
0x4c: {  	s0 =	rddreg [dreg:$0x12]  }
0x4d: {  	[tilespmem:s0], [sflag:$0x1] =	stream.indirect_vreg.gather [hbm4b:s5+s3], $0x80, v3, vm0, $0xb8;
	[tilespmem:$0x14080] =	vst v63  }
0x4e: {  	s10 =	rddreg [dreg:$0x13]  }
0x4f: {  	[tilespmem:s10], [sflag:$0x1] =	stream.indirect_vreg.gather [hbm4b:s6+s3], $0x80, v3, vm0, $0xb8;
	[tilespmem:$0x14080] =	vst v63  }
0x50: {  	v3 =	vld [tilespmem:$0x20];
	_ =	sdelay $0x4  }
0x51: {  	v61 =	vshll.u32 v3, $0x3  }
0x52: {  	v3 =	vand.u32 $0x7, v3;
	v4 =	vand.u32 $0xFFFFFFC0, v61  }
0x53: {  	v3 =	vor.u32 v3, v4  }
0x54: {  	v4 =	vperm.xlane v3, v0;
	_ =	sdelay $0x1  }
0x55: {  	v4 =	vadd.s32 v1, v4;
	_ =	sdelay $0x3  }
0x56: {  	s0 =	rddreg [dreg:$0x14]  }
0x57: {  	[tilespmem:s0], [sflag:$0x1] =	stream.indirect_vreg.gather [hbm4b:s2+s3], $0x80, v4, vm0, $0xb8;
	[tilespmem:$0x14080] =	vst v63  }
0x58: {  	s10 =	rddreg [dreg:$0x15];
	v3 =	vperm.xlane v3, v2  }
0x59: {  	[tilespmem:s10], [sflag:$0x1] =	stream.indirect_vreg.gather [hbm4b:s4+s3], $0x80, v4, vm0, $0xb8;
	[tilespmem:$0x14080] =	vst v63  }
0x5a: {  	v3 =	vadd.s32 v1, v3;
	s0 =	rddreg [dreg:$0x16]  }
0x5b: {  	[tilespmem:s0], [sflag:$0x1] =	stream.indirect_vreg.gather [hbm4b:s5+s3], $0x80, v4, vm0, $0xb8;
	[tilespmem:$0x14080] =	vst v63  }
0x5c: {  	s10 =	simm.s32 $0x9880  }
0x5d: {  	[tilespmem:s10], [sflag:$0x1] =	stream.indirect_vreg.gather [hbm4b:s6+s3], $0x80, v4, vm0, $0xb8;
	[tilespmem:$0x14080] =	vst v63  }
0x5e: {  	_ = 	snop  }
0x5f: {  	[tilespmem:s11], [sflag:$0x1] =	stream.indirect_vreg.gather [hbm4b:s2+s3], $0x80, v3, vm0, $0xb8;
	[tilespmem:$0x14080] =	vst v63  }
0x60: {  	_ = 	snop  }
0x61: {  	[tilespmem:s12], [sflag:$0x1] =	stream.indirect_vreg.gather [hbm4b:s4+s3], $0x80, v3, vm0, $0xb8;
	[tilespmem:$0x14080] =	vst v63  }
0x62: {  	_ = 	snop  }
0x63: {  	[tilespmem:s13], [sflag:$0x1] =	stream.indirect_vreg.gather [hbm4b:s5+s3], $0x80, v3, vm0, $0xb8;
	[tilespmem:$0x14080] =	vst v63  }
0x64: {  	_ = 	snop  }
0x65: {  	[tilespmem:s14], [sflag:$0x1] =	stream.indirect_vreg.gather [hbm4b:s6+s3], $0x80, v3, vm0, $0xb8;
	[tilespmem:$0x14080] =	vst v63  }
0x66: {  	v3 =	vld [tilespmem:$0x30];
	_ =	sdelay $0x4  }
0x67: {  	v62 =	vshll.u32 v3, $0x3  }
0x68: {  	v3 =	vand.u32 $0x7, v3;
	v4 =	vand.u32 $0xFFFFFFC0, v62  }
0x69: {  	v3 =	vor.u32 v3, v4  }
0x6a: {  	v4 =	vperm.xlane v3, v0;
	_ =	sdelay $0x1  }
0x6b: {  	v4 =	vadd.s32 v1, v4;
	_ =	sdelay $0x4  }
0x6c: {  	[tilespmem:s15], [sflag:$0x1] =	stream.indirect_vreg.gather [hbm4b:s2+s3], $0x80, v4, vm0, $0xb8;
	[tilespmem:$0x14080] =	vst v63  }
0x6d: {  	v3 =	vperm.xlane v3, v2  }
0x6e: {  	[tilespmem:s16], [sflag:$0x1] =	stream.indirect_vreg.gather [hbm4b:s4+s3], $0x80, v4, vm0, $0xb8;
	[tilespmem:$0x14080] =	vst v63  }
0x6f: {  	v3 =	vadd.s32 v1, v3  }
0x70: {  	[tilespmem:s17], [sflag:$0x1] =	stream.indirect_vreg.gather [hbm4b:s5+s3], $0x80, v4, vm0, $0xb8;
	[tilespmem:$0x14080] =	vst v63  }
0x71: {  	_ = 	snop  }
0x72: {  	[tilespmem:s18], [sflag:$0x1] =	stream.indirect_vreg.gather [hbm4b:s6+s3], $0x80, v4, vm0, $0xb8;
	[tilespmem:$0x14080] =	vst v63  }
0x73: {  	_ = 	snop  }
0x74: {  	[tilespmem:s19], [sflag:$0x1] =	stream.indirect_vreg.gather [hbm4b:s2+s3], $0x80, v3, vm0, $0xb8;
	[tilespmem:$0x14080] =	vst v63  }
0x75: {  	_ = 	snop  }
0x76: {  	[tilespmem:s20], [sflag:$0x1] =	stream.indirect_vreg.gather [hbm4b:s4+s3], $0x80, v3, vm0, $0xb8;
	[tilespmem:$0x14080] =	vst v63  }
0x77: {  	_ = 	snop  }
0x78: {  	[tilespmem:s21], [sflag:$0x1] =	stream.indirect_vreg.gather [hbm4b:s5+s3], $0x80, v3, vm0, $0xb8;
	[tilespmem:$0x14080] =	vst v63  }
0x79: {  	_ = 	snop  }
0x7a: {  	[tilespmem:s22], [sflag:$0x1] =	stream.indirect_vreg.gather [hbm4b:s6+s3], $0x80, v3, vm0, $0xb8;
	[tilespmem:$0x14080] =	vst v63  }
0x7b: {  	v3 =	vld [tilespmem:$0x40];
	_ =	sdelay $0x4  }
0x7c: {  	v63 =	vshll.u32 v3, $0x3  }
0x7d: {  	v3 =	vand.u32 $0x7, v3;
	v4 =	vand.u32 $0xFFFFFFC0, v63  }
0x7e: {  	v3 =	vor.u32 v3, v4  }
0x7f: {  	v4 =	vperm.xlane v3, v0;
	_ =	sdelay $0x1  }
0x80: {  	v4 =	vadd.s32 v1, v4;
	_ =	sdelay $0x4  }
0x81: {  	[tilespmem:s23], [sflag:$0x1] =	stream.indirect_vreg.gather [hbm4b:s2+s3], $0x80, v4, vm0, $0xb8;
	[tilespmem:$0x14080] =	vst v63  }
0x82: {  	v3 =	vperm.xlane v3, v2  }
0x83: {  	[tilespmem:s24], [sflag:$0x1] =	stream.indirect_vreg.gather [hbm4b:s4+s3], $0x80, v4, vm0, $0xb8;
	[tilespmem:$0x14080] =	vst v63  }
0x84: {  	v3 =	vadd.s32 v1, v3  }
0x85: {  	[tilespmem:s25], [sflag:$0x1] =	stream.indirect_vreg.gather [hbm4b:s5+s3], $0x80, v4, vm0, $0xb8;
	[tilespmem:$0x14080] =	vst v63  }
0x86: {  	_ = 	snop  }
0x87: {  	[tilespmem:s26], [sflag:$0x1] =	stream.indirect_vreg.gather [hbm4b:s6+s3], $0x80, v4, vm0, $0xb8;
	[tilespmem:$0x14080] =	vst v63  }
0x88: {  	_ = 	snop  }
0x89: {  	[tilespmem:s28], [sflag:$0x1] =	stream.indirect_vreg.gather [hbm4b:s2+s3], $0x80, v3, vm0, $0xb8;
	[tilespmem:$0x14080] =	vst v63  }
0x8a: {  	_ = 	snop  }
0x8b: {  	[tilespmem:s29], [sflag:$0x1] =	stream.indirect_vreg.gather [hbm4b:s4+s3], $0x80, v3, vm0, $0xb8;
	[tilespmem:$0x14080] =	vst v63  }
0x8c: {  	_ = 	snop  }
0x8d: {  	[tilespmem:s30], [sflag:$0x1] =	stream.indirect_vreg.gather [hbm4b:s5+s3], $0x80, v3, vm0, $0xb8;
	[tilespmem:$0x14080] =	vst v63  }
0x8e: {  	_ = 	snop  }
0x8f: {  	[tilespmem:s31], [sflag:$0x1] =	stream.indirect_vreg.gather [hbm4b:s6+s3], $0x80, v3, vm0, $0xb8;
	[tilespmem:$0x14080] =	vst v63  }
0x90: {  	_ =	swait.ge [sflag:s1], $0x14000  }
0x91: {  	p0 =	sne.s32 s7, $0x1;
	[sflag:s1] =	ssyncset.done $0x0  }
.Ltmp0:
0x92: {  	s10 =	rddreg [dreg:$0x4];
	[sflag:s1] =	ssyncadd.s32 $0xFFFEC000;
	(pc) =	sbr.rel @p0 .LBB2_1-.Ltmp0, $4  }
0x93: {  	[hbm4b:s10+s3] =	stream.linear.scatter [tilespmem:s9], [sflag:$0x2], $0x14000, $0x38;
	[tilespmem:$0x14080] =	vst v63  }
0x94: {  	_ =	swait.ge [sflag:s8], $0x14000  }
0x95: {  	[sflag:s8] =	ssyncset.done $0x0  }
0x96: {  	s7 =	sadd.s32 $0xFFFFFFFF, s7;
	[sflag:s8] =	ssyncadd.s32 $0xFFFEC000  }
0x97: {  	_ =	sfence.sel $0x180000  }
0x98: {  	[bflag:$0x0] =	sbarrier.arrive $0xFFFF  }
0x99: {  	_ =	strace $0x90000047  }
0x9a: {  	s0 =	stileid.u32;
	[bflag:$0x2] =	sbarrier.arrive $0xFFFF  }
0x9b: {  	p0 =	sne.s32 s0, $0x0;
	s0 =	rddreg [dreg:$0x2]  }
0x9c: {  	s0 =	sadd.s32 @!p0 $0x100000, s0  }
0x9d: {  	[sflag:s0] =	ssyncadd.tile.s32 @!p0 $0x1;
	_ =	shalt  }
.Lfunc_end2:
_tile_overlayer_lowered:
.L_overlay_start_2:
0x9e: {  	(tag) =	ssettag $0x2  }
0x9f: {  	s0 =	rddreg [dreg:$0x0];
	s2 =	stileid.u32  }
0xa0: {  	s1 =	rddreg [dreg:$0x1];
	p0 =	sne.s32 s2, $0x0  }
0xa1: {  	s3 =	rddreg [dreg:$0x2];
	[bflag:$0x3] =	sbarrier.arrive $0xFFFF;
	s2 =	simm.s32 @!p0 $0x1C02  }
0xa2: {  	[timem:s3], [sflag:s2] =	dma.local @!p0 [hbm:s0], s1  }
0xa3: {  	s0 =	simm.s32 @!p0 $0x2  }
0xa4: {  	_ =	swait.ge @!p0 [sflag:s0], s1  }
0xa5: {  	s1 =	ssub.s32 @!p0 $0x0, s1;
	[sflag:s0] =	ssyncset.done @!p0 $0x0  }
0xa6: {  	[sflag:s0] =	ssyncadd.s32 @!p0 s1  }
0xa7: {  	[bflag:$0x3] =	sbarrier.arrive $0xFFFF  }
0xa8: {  	_ =	shalt  }

</sc_bundles>
